<compile_context>
chip_gen: v7x
topology: tpu7x:2x2x1
jax: 0.10.2.dev20260603
libtpu: 0.0.44.dev20260713+nightly
codegen_flags: <defaults>
</compile_context>

<pallas_src>
import jax
import jax.numpy as jnp
from jax import lax
from jax.experimental import pallas as pl
from jax.experimental.pallas import tpu as pltpu
from jax.experimental.pallas import tpu_sc as plsc

V = 16384
BT = 8192
NW = 32
PER_W = BT // NW
CH = 2
NCHUNK = PER_W // CH
L = 16


def _sc_kernel(idx2d_hbm, tgt_hbm, emb_hbm,
               out_hbm, s_hbm, x_hbm,
               idx2_v, tgt_v, s_v, x_v, rows_v,
               gsem0, gsem1, osem0, osem1):
    wid = lax.axis_index("c") * 16 + lax.axis_index("s")
    base = wid * PER_W

    pltpu.sync_copy(idx2d_hbm.at[pl.ds(wid * NCHUNK, NCHUNK)], idx2_v)
    pltpu.sync_copy(tgt_hbm.at[pl.ds(base, PER_W)], tgt_v)

    gsem = (gsem0, gsem1)
    osem = (osem0, osem1)

    for b in range(2):
        pltpu.async_copy(emb_hbm.at[idx2_v.at[b]], rows_v.at[b], gsem[b])

    lanes = lax.broadcasted_iota(jnp.int32, (L,), 0)

    def pair_body(g, carry):
        svec, xvec = carry
        for b in range(2):
            c = 2 * g + b
            buf = rows_v.at[b]
            pltpu.make_async_copy(emb_hbm.at[idx2_v.at[c]], buf,
                                  gsem[b]).wait()
            pltpu.async_copy(buf, out_hbm.at[pl.ds(base + c * CH, CH)],
                             osem[b])

            tvec = plsc.load_gather(tgt_v, [c * CH + (lanes % CH)])
            xt16 = plsc.load_gather(rows_v,
                                    [jnp.full((L,), b, jnp.int32),
                                     lanes % CH, tvec])
            pos = (c * CH) % L
            sel = (lanes >= pos) & (lanes < pos + CH)
            xvec = jnp.where(sel, xt16, xvec)

            for j in range(CH):
                def sum_body(i, sv):
                    for u in range(16):
                        v = buf[j, pl.ds((i * 16 + u) * L, L)]
                        sv = sv + jnp.exp(v)
                    return sv
                sv = lax.fori_loop(0, V // (16 * L), sum_body,
                                   jnp.zeros((L,), jnp.float32))
                s = jnp.sum(sv)

                lane = (c * CH + j) % L
                svec = jnp.where(lanes == lane, s, svec)

            @pl.when((c * CH) % L == L - CH)
            def _():
                base16 = (c * CH // L) * L
                s_v[pl.ds(base16, L)] = svec
                x_v[pl.ds(base16, L)] = xvec

            pltpu.make_async_copy(buf, out_hbm.at[pl.ds(base + c * CH, CH)],
                                  osem[b]).wait()

            @pl.when(c + 2 < NCHUNK)
            def _():
                pltpu.async_copy(emb_hbm.at[idx2_v.at[c + 2]],
                                 rows_v.at[b], gsem[b])
        return svec, xvec

    zeros = jnp.zeros((L,), jnp.float32)
    lax.fori_loop(0, NCHUNK // 2, pair_body, (zeros, zeros))

    pltpu.sync_copy(s_v, s_hbm.at[pl.ds(base, PER_W)])
    pltpu.sync_copy(x_v, x_hbm.at[pl.ds(base, PER_W)])


@jax.jit
def _sc_gather(idx2d, tgt_flat, embeddings):
    mesh = plsc.VectorSubcoreMesh(core_axis_name="c", subcore_axis_name="s")
    f = pl.kernel(
        _sc_kernel,
        mesh=mesh,
        compiler_params=pltpu.CompilerParams(needs_layout_passes=False),
        out_type=(
            jax.ShapeDtypeStruct((BT, V), jnp.float32),
            jax.ShapeDtypeStruct((BT,), jnp.float32),
            jax.ShapeDtypeStruct((BT,), jnp.float32),
        ),
        scratch_types=[
            pltpu.VMEM((NCHUNK, CH), jnp.int32),
            pltpu.VMEM((PER_W,), jnp.int32),
            pltpu.VMEM((PER_W,), jnp.float32),
            pltpu.VMEM((PER_W,), jnp.float32),
            pltpu.VMEM((2, CH, V), jnp.float32),
            pltpu.SemaphoreType.DMA,
            pltpu.SemaphoreType.DMA,
            pltpu.SemaphoreType.DMA,
            pltpu.SemaphoreType.DMA,
        ],
    )
    return f(idx2d, tgt_flat, embeddings)


def _loss_kernel(s_ref, x_ref, out_ref):
    nll = jnp.log(s_ref[...]) - x_ref[...]
    out_ref[0, 0] = jnp.sum(nll) * (1.0 / BT)


@jax.jit
def _tc_loss(s, x):
    s2 = s.reshape(8, BT // 8)
    x2 = x.reshape(8, BT // 8)
    out = pl.pallas_call(
        _loss_kernel,
        out_shape=jax.ShapeDtypeStruct((1, 1), jnp.float32),
        out_specs=pl.BlockSpec(memory_space=pltpu.SMEM),
    )(s2, x2)
    return out[0, 0]


def kernel(idx, targets, embeddings):
    idx2d = idx.astype(jnp.int32).reshape(NW * NCHUNK, CH)
    tgt_flat = targets.astype(jnp.int32).reshape(BT)
    logits_flat, s, x = _sc_gather(idx2d, tgt_flat, embeddings)
    loss = _tc_loss(s, x)
    B, T = idx.shape
    return (logits_flat.reshape(B, T, V), loss)

# --- scband reference (transcript-rebuilt; emitter-appended) ---
"""Pipeline reference for scband-bigram-language-model-55009941127468 (READ-ONLY COPY).

The authoritative reference and input builder live on the scoring server;
editing this copy changes nothing except your own understanding.
"""

import jax, jax.numpy as jnp
import numpy as np

VOCAB = 16384
B, T = 4, 2048


def setup_inputs(seed: int = 0) -> dict:
    key = jax.random.key(seed)
    k1, k2, k3 = jax.random.split(key, 3)
    idx = jax.random.randint(k1, (B, T), 0, VOCAB)
    targets = jax.random.randint(k2, (B, T), 0, VOCAB)
    # nn.Embedding default init: N(0, 1)
    embeddings = jax.random.normal(k3, (VOCAB, VOCAB), dtype=jnp.float32)
    return {"idx": idx, "targets": targets, "embeddings": embeddings}


def reference(idx, targets, embeddings):
    # logits = self.embeddings(idx)  -> gather rows of the [V, V] table
    logits = jnp.take(embeddings, idx, axis=0)  # [B, T, V]
    # cross_entropy(rearrange(logits,'b t c -> (b t) c'), rearrange(targets,'b t -> (b t)'))
    flat_logits = logits.reshape(-1, VOCAB)
    flat_targets = targets.reshape(-1)
    logp = jax.nn.log_softmax(flat_logits, axis=-1)
    nll = -jnp.take_along_axis(logp, flat_targets[:, None], axis=1)[:, 0]
    loss = jnp.mean(nll)
    return (logits, loss)

if __name__ == "__main__":
    import jax
    _d = setup_inputs()
    print(jax.jit(kernel)(*tuple(_d.values())))

</pallas_src>

<mosaic_0001>
#map = affine_map<(d0, d1) -> (0, 0)>
#map1 = affine_map<(d0, d1) -> (0)>
module attributes {stable_mosaic.version = 14 : i64} {
  func.func @_sc_kernel(%arg0: i32, %arg1: i32, %arg2: memref<4096x2xi32, #tpu.memory_space<hbm>>, %arg3: memref<8192xi32, #tpu.memory_space<hbm>>, %arg4: memref<16384x16384xf32, #tpu.memory_space<hbm>>, %arg5: memref<8192x16384xf32, #tpu.memory_space<hbm>>, %arg6: memref<8192xf32, #tpu.memory_space<hbm>>, %arg7: memref<8192xf32, #tpu.memory_space<hbm>>, %arg8: memref<128x2xi32, #tpu.memory_space<vmem>>, %arg9: memref<256xi32, #tpu.memory_space<vmem>>, %arg10: memref<256xf32, #tpu.memory_space<vmem>>, %arg11: memref<256xf32, #tpu.memory_space<vmem>>, %arg12: memref<2x2x16384xf32, #tpu.memory_space<vmem>>, %arg13: memref<!tpu.dma_semaphore, #tpu.memory_space<semaphore_mem>>, %arg14: memref<!tpu.dma_semaphore, #tpu.memory_space<semaphore_mem>>, %arg15: memref<!tpu.dma_semaphore, #tpu.memory_space<semaphore_mem>>, %arg16: memref<!tpu.dma_semaphore, #tpu.memory_space<semaphore_mem>>) attributes {dimension_semantics = [#tpu.dimension_semantics<core_parallel>, #tpu.dimension_semantics<subcore_parallel>], iteration_bounds = array<i64: 2, 16>, scalar_prefetch = 0 : i64, scratch_operands = 9 : i64, tpu.core_type = #tpu.core_type<sc_vector_subcore>, window_params = [{transform_indices = #map}, {transform_indices = #map1}, {transform_indices = #map}, {transform_indices = #map}, {transform_indices = #map1}, {transform_indices = #map1}]} {
    %mul3A = arith.constant 16 : i32
    %mul3A_0 = arith.muli %arg0, %mul3A : i32
    %add3A = arith.addi %mul3A_0, %arg1 : i32
    %mul3A_1 = arith.constant 256 : i32
    %mul3A_2 = arith.muli %add3A, %mul3A_1 : i32
    %mul3A_3 = arith.constant 128 : i32
    %mul3A_4 = arith.muli %add3A, %mul3A_3 : i32
    "tpu.region"() ({
      %run_scoped3A = tpu.sem_alloc : memref<!tpu.dma_semaphore, #tpu.memory_space<semaphore_mem>>
      %dma_start3A_34 = arith.constant 0 : i32
      %dma_start3A_35 = tpu.memref_slice %arg2[%mul3A_4, %dma_start3A_34] : memref<4096x2xi32, #tpu.memory_space<hbm>> -> memref<128x2xi32, #tpu.memory_space<hbm>>
      %dma_start3A_36 = arith.constant 0 : i32
      %dma_start3A_37 = tpu.memref_slice %arg2[%mul3A_4, %dma_start3A_36] : memref<4096x2xi32, #tpu.memory_space<hbm>> -> memref<128x2xi32, #tpu.memory_space<hbm>>
      tpu.enqueue_dma source(%dma_start3A_37 : memref<128x2xi32, #tpu.memory_space<hbm>>) target(%arg8 : memref<128x2xi32, #tpu.memory_space<vmem>>) target_semaphore(%run_scoped3A : memref<!tpu.dma_semaphore, #tpu.memory_space<semaphore_mem>>)
      %dma_wait3A = arith.constant 0 : i32
      %dma_wait3A_38 = tpu.memref_slice %arg2[%mul3A_4, %dma_wait3A] : memref<4096x2xi32, #tpu.memory_space<hbm>> -> memref<128x2xi32, #tpu.memory_space<hbm>>
      %dma_wait3A_39 = arith.constant 0 : i32
      %dma_wait3A_40 = tpu.memref_slice %arg2[%mul3A_4, %dma_wait3A_39] : memref<4096x2xi32, #tpu.memory_space<hbm>> -> memref<128x2xi32, #tpu.memory_space<hbm>>
      tpu.wait_dma2 semaphore(%run_scoped3A : memref<!tpu.dma_semaphore, #tpu.memory_space<semaphore_mem>>) src(%dma_wait3A_40 : memref<128x2xi32, #tpu.memory_space<hbm>>) dst(%arg8 : memref<128x2xi32, #tpu.memory_space<vmem>>)
      tpu.yield
    }) : () -> ()
    "tpu.region"() ({
      %run_scoped3A = tpu.sem_alloc : memref<!tpu.dma_semaphore, #tpu.memory_space<semaphore_mem>>
      %dma_start3A_34 = tpu.memref_slice %arg3[%mul3A_2] : memref<8192xi32, #tpu.memory_space<hbm>> -> memref<256xi32, #tpu.memory_space<hbm>>
      %dma_start3A_35 = tpu.memref_slice %arg3[%mul3A_2] : memref<8192xi32, #tpu.memory_space<hbm>> -> memref<256xi32, #tpu.memory_space<hbm>>
      tpu.enqueue_dma source(%dma_start3A_35 : memref<256xi32, #tpu.memory_space<hbm>>) target(%arg9 : memref<256xi32, #tpu.memory_space<vmem>>) target_semaphore(%run_scoped3A : memref<!tpu.dma_semaphore, #tpu.memory_space<semaphore_mem>>)
      %dma_wait3A = tpu.memref_slice %arg3[%mul3A_2] : memref<8192xi32, #tpu.memory_space<hbm>> -> memref<256xi32, #tpu.memory_space<hbm>>
      %dma_wait3A_36 = tpu.memref_slice %arg3[%mul3A_2] : memref<8192xi32, #tpu.memory_space<hbm>> -> memref<256xi32, #tpu.memory_space<hbm>>
      tpu.wait_dma2 semaphore(%run_scoped3A : memref<!tpu.dma_semaphore, #tpu.memory_space<semaphore_mem>>) src(%dma_wait3A_36 : memref<256xi32, #tpu.memory_space<hbm>>) dst(%arg9 : memref<256xi32, #tpu.memory_space<vmem>>)
      tpu.yield
    }) : () -> ()
    %dma_start3A = arith.constant 0 : i32
    %dma_start3A_5 = arith.constant 0 : i32
    %dma_start3A_6 = arith.constant 0 : i32
    %dma_start3A_7 = arith.constant 0 : i32
    %dma_start3A_8 = tpu.memref_slice %arg12[%dma_start3A_5, %dma_start3A_6, %dma_start3A_7] : memref<2x2x16384xf32, #tpu.memory_space<vmem>> -> memref<1x2x16384xf32, #tpu.memory_space<vmem>>
    %dma_start3A_9 = tpu.memref_squeeze %dma_start3A_8 : memref<1x2x16384xf32, #tpu.memory_space<vmem>> -> memref<2x16384xf32, #tpu.memory_space<vmem>>
    %dma_start3A_10 = arith.constant 0 : i32
    %dma_start3A_11 = tpu.memref_slice %arg8[%dma_start3A, %dma_start3A_10] : memref<128x2xi32, #tpu.memory_space<vmem>> -> memref<1x2xi32, #tpu.memory_space<vmem>>
    %dma_start3A_12 = tpu.memref_squeeze %dma_start3A_11 : memref<1x2xi32, #tpu.memory_space<vmem>> -> memref<2xi32, #tpu.memory_space<vmem>>
    %dma_start3A_13 = arith.constant 0 : i32
    %dma_start3A_14 = arith.constant 0 : i32
    %dma_start3A_15 = tpu.memref_slice %arg4[%dma_start3A_13, %dma_start3A_14] : memref<16384x16384xf32, #tpu.memory_space<hbm>> -> memref<16384x16384xf32, #tpu.memory_space<hbm>>
    tpu.enqueue_indirect_dma source(%dma_start3A_15 : memref<16384x16384xf32, #tpu.memory_space<hbm>>) target(%dma_start3A_9 : memref<2x16384xf32, #tpu.memory_space<vmem>>) offsets(%dma_start3A_12 : memref<2xi32, #tpu.memory_space<vmem>>) semaphore(%arg13 : memref<!tpu.dma_semaphore, #tpu.memory_space<semaphore_mem>>)
    %dma_start3A_16 = arith.constant 1 : i32
    %dma_start3A_17 = arith.constant 1 : i32
    %dma_start3A_18 = arith.constant 0 : i32
    %dma_start3A_19 = arith.constant 0 : i32
    %dma_start3A_20 = tpu.memref_slice %arg12[%dma_start3A_17, %dma_start3A_18, %dma_start3A_19] : memref<2x2x16384xf32, #tpu.memory_space<vmem>> -> memref<1x2x16384xf32, #tpu.memory_space<vmem>>
    %dma_start3A_21 = tpu.memref_squeeze %dma_start3A_20 : memref<1x2x16384xf32, #tpu.memory_space<vmem>> -> memref<2x16384xf32, #tpu.memory_space<vmem>>
    %dma_start3A_22 = arith.constant 0 : i32
    %dma_start3A_23 = tpu.memref_slice %arg8[%dma_start3A_16, %dma_start3A_22] : memref<128x2xi32, #tpu.memory_space<vmem>> -> memref<1x2xi32, #tpu.memory_space<vmem>>
    %dma_start3A_24 = tpu.memref_squeeze %dma_start3A_23 : memref<1x2xi32, #tpu.memory_space<vmem>> -> memref<2xi32, #tpu.memory_space<vmem>>
    %dma_start3A_25 = arith.constant 0 : i32
    %dma_start3A_26 = arith.constant 0 : i32
    %dma_start3A_27 = tpu.memref_slice %arg4[%dma_start3A_25, %dma_start3A_26] : memref<16384x16384xf32, #tpu.memory_space<hbm>> -> memref<16384x16384xf32, #tpu.memory_space<hbm>>
    tpu.enqueue_indirect_dma source(%dma_start3A_27 : memref<16384x16384xf32, #tpu.memory_space<hbm>>) target(%dma_start3A_21 : memref<2x16384xf32, #tpu.memory_space<vmem>>) offsets(%dma_start3A_24 : memref<2xi32, #tpu.memory_space<vmem>>) semaphore(%arg14 : memref<!tpu.dma_semaphore, #tpu.memory_space<semaphore_mem>>)
    %iota3A = tpu.iota {dimensions = array<i32: 0>} : vector<16xi32>
    %broadcast_in_dim3A = arith.constant 0.000000e+00 : f32
    %broadcast_in_dim3A_28 = vector.broadcast %broadcast_in_dim3A : f32 to vector<16xf32>
    %scan3A = arith.constant 0 : i32
    %scan3A_29 = arith.constant 64 : i32
    %scan3A_30 = arith.addi %scan3A, %scan3A_29 : i32
    %scan3A_31 = arith.constant 1 : i32
    %scan3A_32:2 = scf.for %scan3A_34 = %scan3A to %scan3A_30 step %scan3A_31 iter_args(%scan3A_35 = %broadcast_in_dim3A_28, %scan3A_36 = %broadcast_in_dim3A_28) -> (vector<16xf32>, vector<16xf32>)  : i32 {
      %mul3A_37 = arith.constant 2 : i32
      %mul3A_38 = arith.muli %mul3A_37, %scan3A_34 : i32
      %add3A_39 = arith.constant 0 : i32
      %add3A_40 = arith.addi %mul3A_38, %add3A_39 : i32
      %dma_wait3A = arith.constant 0 : i32
      %dma_wait3A_41 = arith.constant 0 : i32
      %dma_wait3A_42 = arith.constant 0 : i32
      %dma_wait3A_43 = tpu.memref_slice %arg12[%dma_wait3A, %dma_wait3A_41, %dma_wait3A_42] : memref<2x2x16384xf32, #tpu.memory_space<vmem>> -> memref<1x2x16384xf32, #tpu.memory_space<vmem>>
      %dma_wait3A_44 = tpu.memref_squeeze %dma_wait3A_43 : memref<1x2x16384xf32, #tpu.memory_space<vmem>> -> memref<2x16384xf32, #tpu.memory_space<vmem>>
      %dma_wait3A_45 = arith.constant 0 : i32
      %dma_wait3A_46 = tpu.memref_slice %arg8[%add3A_40, %dma_wait3A_45] : memref<128x2xi32, #tpu.memory_space<vmem>> -> memref<1x2xi32, #tpu.memory_space<vmem>>
      %dma_wait3A_47 = tpu.memref_squeeze %dma_wait3A_46 : memref<1x2xi32, #tpu.memory_space<vmem>> -> memref<2xi32, #tpu.memory_space<vmem>>
      %dma_wait3A_48 = arith.constant 0 : i32
      %dma_wait3A_49 = arith.constant 0 : i32
      %dma_wait3A_50 = tpu.memref_slice %arg4[%dma_wait3A_48, %dma_wait3A_49] : memref<16384x16384xf32, #tpu.memory_space<hbm>> -> memref<16384x16384xf32, #tpu.memory_space<hbm>>
      tpu.wait_indirect_dma semaphore(%arg13 : memref<!tpu.dma_semaphore, #tpu.memory_space<semaphore_mem>>) src(%dma_wait3A_50 : memref<16384x16384xf32, #tpu.memory_space<hbm>>) dst(%dma_wait3A_44 : memref<2x16384xf32, #tpu.memory_space<vmem>>)
      %mul3A_51 = arith.constant 2 : i32
      %mul3A_52 = arith.muli %add3A_40, %mul3A_51 : i32
      %add3A_53 = arith.addi %mul3A_2, %mul3A_52 : i32
      %dma_start3A_54 = arith.constant 0 : i32
      %dma_start3A_55 = arith.constant 0 : i32
      %dma_start3A_56 = arith.constant 0 : i32
      %dma_start3A_57 = tpu.memref_slice %arg12[%dma_start3A_54, %dma_start3A_55, %dma_start3A_56] : memref<2x2x16384xf32, #tpu.memory_space<vmem>> -> memref<1x2x16384xf32, #tpu.memory_space<vmem>>
      %dma_start3A_58 = tpu.memref_squeeze %dma_start3A_57 : memref<1x2x16384xf32, #tpu.memory_space<vmem>> -> memref<2x16384xf32, #tpu.memory_space<vmem>>
      %dma_start3A_59 = arith.constant 0 : i32
      %dma_start3A_60 = tpu.memref_slice %arg5[%add3A_53, %dma_start3A_59] : memref<8192x16384xf32, #tpu.memory_space<hbm>> -> memref<2x16384xf32, #tpu.memory_space<hbm>>
      %dma_start3A_61 = arith.constant 0 : i32
      %dma_start3A_62 = tpu.memref_slice %arg5[%add3A_53, %dma_start3A_61] : memref<8192x16384xf32, #tpu.memory_space<hbm>> -> memref<2x16384xf32, #tpu.memory_space<hbm>>
      %dma_start3A_63 = arith.constant 0 : i32
      %dma_start3A_64 = arith.constant 0 : i32
      %dma_start3A_65 = tpu.memref_slice %arg12[%dma_start3A_54, %dma_start3A_63, %dma_start3A_64] : memref<2x2x16384xf32, #tpu.memory_space<vmem>> -> memref<1x2x16384xf32, #tpu.memory_space<vmem>>
      %dma_start3A_66 = tpu.memref_squeeze %dma_start3A_65 : memref<1x2x16384xf32, #tpu.memory_space<vmem>> -> memref<2x16384xf32, #tpu.memory_space<vmem>>
      tpu.enqueue_dma source(%dma_start3A_66 : memref<2x16384xf32, #tpu.memory_space<vmem>>) target(%dma_start3A_62 : memref<2x16384xf32, #tpu.memory_space<hbm>>) target_semaphore(%arg15 : memref<!tpu.dma_semaphore, #tpu.memory_space<semaphore_mem>>)
      %mul3A_67 = arith.constant 2 : i32
      %mul3A_68 = arith.muli %add3A_40, %mul3A_67 : i32
      %jit3A = arith.constant 2 : i32
      %eq3A = arith.constant 0 : i32
      %eq3A_69 = arith.cmpi eq, %jit3A, %eq3A : i32
      %jit3A_70 = arith.constant 1 : i32
      %select_n3A = arith.select %eq3A_69, %jit3A_70, %jit3A : i32
      %rem3A = vector.broadcast %select_n3A : i32 to vector<16xi32>
      %rem3A_71 = arith.remsi %iota3A, %rem3A : vector<16xi32>
      %ne3A = arith.constant 0 : i32
      %ne3A_72 = vector.broadcast %ne3A : i32 to vector<16xi32>
      %ne3A_73 = arith.cmpi ne, %rem3A_71, %ne3A_72 : vector<16xi32>
      %lt3A = arith.constant 0 : i32
      %lt3A_74 = vector.broadcast %lt3A : i32 to vector<16xi32>
      %lt3A_75 = arith.cmpi slt, %rem3A_71, %lt3A_74 : vector<16xi32>
      %lt3A_76 = arith.constant 0 : i32
      %lt3A_77 = arith.cmpi slt, %select_n3A, %lt3A_76 : i32
      %ne3A_78 = vector.broadcast %lt3A_77 : i1 to vector<16xi1>
      %ne3A_79 = vector.broadcast %ne3A_78 : vector<16xi1> to vector<16xi1>
      %ne3A_80 = arith.xori %lt3A_75, %ne3A_79 : vector<16xi1>
      %and3A = arith.andi %ne3A_80, %ne3A_73 : vector<16xi1>
      %add3A_81 = vector.broadcast %select_n3A : i32 to vector<16xi32>
      %add3A_82 = arith.addi %rem3A_71, %add3A_81 : vector<16xi32>
      %select_n3A_83 = arith.select %and3A, %add3A_82, %rem3A_71 : vector<16xi1>, vector<16xi32>
      %add3A_84 = vector.broadcast %mul3A_68 : i32 to vector<16xi32>
      %add3A_85 = arith.addi %add3A_84, %select_n3A_83 : vector<16xi32>
      %gather3A = tpu.vector_load_idx %arg9[%add3A_85] : memref<256xi32, #tpu.memory_space<vmem>>[vector<16xi32>], vector<16xi32>,
      %broadcast_in_dim3A_86 = arith.constant 0 : i32
      %broadcast_in_dim3A_87 = vector.broadcast %broadcast_in_dim3A_86 : i32 to vector<16xi32>
      %jit3A_88 = arith.constant 2 : i32
      %eq3A_89 = arith.constant 0 : i32
      %eq3A_90 = arith.cmpi eq, %jit3A_88, %eq3A_89 : i32
      %jit3A_91 = arith.constant 1 : i32
      %select_n3A_92 = arith.select %eq3A_90, %jit3A_91, %jit3A_88 : i32
      %rem3A_93 = vector.broadcast %select_n3A_92 : i32 to vector<16xi32>
      %rem3A_94 = arith.remsi %iota3A, %rem3A_93 : vector<16xi32>
      %ne3A_95 = arith.constant 0 : i32
      %ne3A_96 = vector.broadcast %ne3A_95 : i32 to vector<16xi32>
      %ne3A_97 = arith.cmpi ne, %rem3A_94, %ne3A_96 : vector<16xi32>
      %lt3A_98 = arith.constant 0 : i32
      %lt3A_99 = vector.broadcast %lt3A_98 : i32 to vector<16xi32>
      %lt3A_100 = arith.cmpi slt, %rem3A_94, %lt3A_99 : vector<16xi32>
      %lt3A_101 = arith.constant 0 : i32
      %lt3A_102 = arith.cmpi slt, %select_n3A_92, %lt3A_101 : i32
      %ne3A_103 = vector.broadcast %lt3A_102 : i1 to vector<16xi1>
      %ne3A_104 = vector.broadcast %ne3A_103 : vector<16xi1> to vector<16xi1>
      %ne3A_105 = arith.xori %lt3A_100, %ne3A_104 : vector<16xi1>
      %and3A_106 = arith.andi %ne3A_105, %ne3A_97 : vector<16xi1>
      %add3A_107 = vector.broadcast %select_n3A_92 : i32 to vector<16xi32>
      %add3A_108 = arith.addi %rem3A_94, %add3A_107 : vector<16xi32>
      %select_n3A_109 = arith.select %and3A_106, %add3A_108, %rem3A_94 : vector<16xi1>, vector<16xi32>
      %gather3A_110 = tpu.vector_load_idx %arg12[%broadcast_in_dim3A_87, %select_n3A_109, %gather3A] : memref<2x2x16384xf32, #tpu.memory_space<vmem>>[vector<16xi32>, vector<16xi32>, vector<16xi32>], vector<16xf32>,
      %mul3A_111 = arith.constant 2 : i32
      %mul3A_112 = arith.muli %add3A_40, %mul3A_111 : i32
      %jit3A_113 = arith.constant 16 : i32
      %eq3A_114 = arith.constant 0 : i32
      %eq3A_115 = arith.cmpi eq, %jit3A_113, %eq3A_114 : i32
      %jit3A_116 = arith.constant 1 : i32
      %select_n3A_117 = arith.select %eq3A_115, %jit3A_116, %jit3A_113 : i32
      %rem3A_118 = arith.remsi %mul3A_112, %select_n3A_117 : i32
      %ne3A_119 = arith.constant 0 : i32
      %ne3A_120 = arith.cmpi ne, %rem3A_118, %ne3A_119 : i32
      %lt3A_121 = arith.constant 0 : i32
      %lt3A_122 = arith.cmpi slt, %rem3A_118, %lt3A_121 : i32
      %lt3A_123 = arith.constant 0 : i32
      %lt3A_124 = arith.cmpi slt, %select_n3A_117, %lt3A_123 : i32
      %ne3A_125 = arith.xori %lt3A_122, %lt3A_124 : i1
      %and3A_126 = arith.andi %ne3A_125, %ne3A_120 : i1
      %add3A_127 = arith.addi %rem3A_118, %select_n3A_117 : i32
      %select_n3A_128 = arith.select %and3A_126, %add3A_127, %rem3A_118 : i32
      %ge3A = vector.broadcast %select_n3A_128 : i32 to vector<16xi32>
      %ge3A_129 = arith.cmpi sge, %iota3A, %ge3A : vector<16xi32>
      %add3A_130 = arith.constant 2 : i32
      %add3A_131 = arith.addi %select_n3A_128, %add3A_130 : i32
      %lt3A_132 = vector.broadcast %add3A_131 : i32 to vector<16xi32>
      %lt3A_133 = arith.cmpi slt, %iota3A, %lt3A_132 : vector<16xi32>
      %and3A_134 = arith.andi %ge3A_129, %lt3A_133 : vector<16xi1>
      %select_n3A_135 = arith.select %and3A_134, %gather3A_110, %scan3A_36 : vector<16xi1>, vector<16xf32>
      %broadcast_in_dim3A_136 = arith.constant 0.000000e+00 : f32
      %broadcast_in_dim3A_137 = vector.broadcast %broadcast_in_dim3A_136 : f32 to vector<16xf32>
      %scan3A_138 = arith.constant 0 : i32
      %scan3A_139 = arith.constant 0 : i32
      %scan3A_140 = arith.constant 64 : i32
      %scan3A_141 = arith.addi %scan3A_139, %scan3A_140 : i32
      %scan3A_142 = arith.constant 1 : i32
      %scan3A_143 = scf.for %scan3A_482 = %scan3A_139 to %scan3A_141 step %scan3A_142 iter_args(%scan3A_483 = %broadcast_in_dim3A_137) -> (vector<16xf32>)  : i32 {
        %mul3A_484 = arith.constant 16 : i32
        %mul3A_485 = arith.muli %scan3A_482, %mul3A_484 : i32
        %add3A_486 = arith.constant 0 : i32
        %add3A_487 = arith.addi %mul3A_485, %add3A_486 : i32
        %mul3A_488 = arith.constant 16 : i32
        %mul3A_489 = arith.muli %add3A_487, %mul3A_488 : i32
        %get3A = arith.constant 0 : i32
        %get3A_490 = arith.constant 0 : i32
        %get3A_491 = arith.constant 0 : i32
        %get3A_492 = tpu.memref_slice %arg12[%scan3A_138, %get3A_490, %get3A_491] : memref<2x2x16384xf32, #tpu.memory_space<vmem>> -> memref<1x2x16384xf32, #tpu.memory_space<vmem>>
        %get3A_493 = tpu.memref_squeeze %get3A_492 : memref<1x2x16384xf32, #tpu.memory_space<vmem>> -> memref<2x16384xf32, #tpu.memory_space<vmem>>
        %get3A_494 = arith.index_cast %get3A : i32 to index
        %get3A_495 = arith.index_cast %mul3A_489 : i32 to index
        %get3A_496 = tpu.vector_load %get3A_493[%get3A_494, %get3A_495] {strides = array<i32>} : memref<2x16384xf32, #tpu.memory_space<vmem>>, vector<16xf32>,
        %exp3A = math.exp %get3A_496 : vector<16xf32>
        %add3A_497 = arith.addf %scan3A_483, %exp3A : vector<16xf32>
        %mul3A_498 = arith.constant 16 : i32
        %mul3A_499 = arith.muli %scan3A_482, %mul3A_498 : i32
        %add3A_500 = arith.constant 1 : i32
        %add3A_501 = arith.addi %mul3A_499, %add3A_500 : i32
        %mul3A_502 = arith.constant 16 : i32
        %mul3A_503 = arith.muli %add3A_501, %mul3A_502 : i32
        %get3A_504 = arith.constant 0 : i32
        %get3A_505 = arith.constant 0 : i32
        %get3A_506 = arith.constant 0 : i32
        %get3A_507 = tpu.memref_slice %arg12[%scan3A_138, %get3A_505, %get3A_506] : memref<2x2x16384xf32, #tpu.memory_space<vmem>> -> memref<1x2x16384xf32, #tpu.memory_space<vmem>>
        %get3A_508 = tpu.memref_squeeze %get3A_507 : memref<1x2x16384xf32, #tpu.memory_space<vmem>> -> memref<2x16384xf32, #tpu.memory_space<vmem>>
        %get3A_509 = arith.index_cast %get3A_504 : i32 to index
        %get3A_510 = arith.index_cast %mul3A_503 : i32 to index
        %get3A_511 = tpu.vector_load %get3A_508[%get3A_509, %get3A_510] {strides = array<i32>} : memref<2x16384xf32, #tpu.memory_space<vmem>>, vector<16xf32>,
        %exp3A_512 = math.exp %get3A_511 : vector<16xf32>
        %add3A_513 = arith.addf %add3A_497, %exp3A_512 : vector<16xf32>
        %mul3A_514 = arith.constant 16 : i32
        %mul3A_515 = arith.muli %scan3A_482, %mul3A_514 : i32
        %add3A_516 = arith.constant 2 : i32
        %add3A_517 = arith.addi %mul3A_515, %add3A_516 : i32
        %mul3A_518 = arith.constant 16 : i32
        %mul3A_519 = arith.muli %add3A_517, %mul3A_518 : i32
        %get3A_520 = arith.constant 0 : i32
        %get3A_521 = arith.constant 0 : i32
        %get3A_522 = arith.constant 0 : i32
        %get3A_523 = tpu.memref_slice %arg12[%scan3A_138, %get3A_521, %get3A_522] : memref<2x2x16384xf32, #tpu.memory_space<vmem>> -> memref<1x2x16384xf32, #tpu.memory_space<vmem>>
        %get3A_524 = tpu.memref_squeeze %get3A_523 : memref<1x2x16384xf32, #tpu.memory_space<vmem>> -> memref<2x16384xf32, #tpu.memory_space<vmem>>
        %get3A_525 = arith.index_cast %get3A_520 : i32 to index
        %get3A_526 = arith.index_cast %mul3A_519 : i32 to index
        %get3A_527 = tpu.vector_load %get3A_524[%get3A_525, %get3A_526] {strides = array<i32>} : memref<2x16384xf32, #tpu.memory_space<vmem>>, vector<16xf32>,
        %exp3A_528 = math.exp %get3A_527 : vector<16xf32>
        %add3A_529 = arith.addf %add3A_513, %exp3A_528 : vector<16xf32>
        %mul3A_530 = arith.constant 16 : i32
        %mul3A_531 = arith.muli %scan3A_482, %mul3A_530 : i32
        %add3A_532 = arith.constant 3 : i32
        %add3A_533 = arith.addi %mul3A_531, %add3A_532 : i32
        %mul3A_534 = arith.constant 16 : i32
        %mul3A_535 = arith.muli %add3A_533, %mul3A_534 : i32
        %get3A_536 = arith.constant 0 : i32
        %get3A_537 = arith.constant 0 : i32
        %get3A_538 = arith.constant 0 : i32
        %get3A_539 = tpu.memref_slice %arg12[%scan3A_138, %get3A_537, %get3A_538] : memref<2x2x16384xf32, #tpu.memory_space<vmem>> -> memref<1x2x16384xf32, #tpu.memory_space<vmem>>
        %get3A_540 = tpu.memref_squeeze %get3A_539 : memref<1x2x16384xf32, #tpu.memory_space<vmem>> -> memref<2x16384xf32, #tpu.memory_space<vmem>>
        %get3A_541 = arith.index_cast %get3A_536 : i32 to index
        %get3A_542 = arith.index_cast %mul3A_535 : i32 to index
        %get3A_543 = tpu.vector_load %get3A_540[%get3A_541, %get3A_542] {strides = array<i32>} : memref<2x16384xf32, #tpu.memory_space<vmem>>, vector<16xf32>,
        %exp3A_544 = math.exp %get3A_543 : vector<16xf32>
        %add3A_545 = arith.addf %add3A_529, %exp3A_544 : vector<16xf32>
        %mul3A_546 = arith.constant 16 : i32
        %mul3A_547 = arith.muli %scan3A_482, %mul3A_546 : i32
        %add3A_548 = arith.constant 4 : i32
        %add3A_549 = arith.addi %mul3A_547, %add3A_548 : i32
        %mul3A_550 = arith.constant 16 : i32
        %mul3A_551 = arith.muli %add3A_549, %mul3A_550 : i32
        %get3A_552 = arith.constant 0 : i32
        %get3A_553 = arith.constant 0 : i32
        %get3A_554 = arith.constant 0 : i32
        %get3A_555 = tpu.memref_slice %arg12[%scan3A_138, %get3A_553, %get3A_554] : memref<2x2x16384xf32, #tpu.memory_space<vmem>> -> memref<1x2x16384xf32, #tpu.memory_space<vmem>>
        %get3A_556 = tpu.memref_squeeze %get3A_555 : memref<1x2x16384xf32, #tpu.memory_space<vmem>> -> memref<2x16384xf32, #tpu.memory_space<vmem>>
        %get3A_557 = arith.index_cast %get3A_552 : i32 to index
        %get3A_558 = arith.index_cast %mul3A_551 : i32 to index
        %get3A_559 = tpu.vector_load %get3A_556[%get3A_557, %get3A_558] {strides = array<i32>} : memref<2x16384xf32, #tpu.memory_space<vmem>>, vector<16xf32>,
        %exp3A_560 = math.exp %get3A_559 : vector<16xf32>
        %add3A_561 = arith.addf %add3A_545, %exp3A_560 : vector<16xf32>
        %mul3A_562 = arith.constant 16 : i32
        %mul3A_563 = arith.muli %scan3A_482, %mul3A_562 : i32
        %add3A_564 = arith.constant 5 : i32
        %add3A_565 = arith.addi %mul3A_563, %add3A_564 : i32
        %mul3A_566 = arith.constant 16 : i32
        %mul3A_567 = arith.muli %add3A_565, %mul3A_566 : i32
        %get3A_568 = arith.constant 0 : i32
        %get3A_569 = arith.constant 0 : i32
        %get3A_570 = arith.constant 0 : i32
        %get3A_571 = tpu.memref_slice %arg12[%scan3A_138, %get3A_569, %get3A_570] : memref<2x2x16384xf32, #tpu.memory_space<vmem>> -> memref<1x2x16384xf32, #tpu.memory_space<vmem>>
        %get3A_572 = tpu.memref_squeeze %get3A_571 : memref<1x2x16384xf32, #tpu.memory_space<vmem>> -> memref<2x16384xf32, #tpu.memory_space<vmem>>
        %get3A_573 = arith.index_cast %get3A_568 : i32 to index
        %get3A_574 = arith.index_cast %mul3A_567 : i32 to index
        %get3A_575 = tpu.vector_load %get3A_572[%get3A_573, %get3A_574] {strides = array<i32>} : memref<2x16384xf32, #tpu.memory_space<vmem>>, vector<16xf32>,
        %exp3A_576 = math.exp %get3A_575 : vector<16xf32>
        %add3A_577 = arith.addf %add3A_561, %exp3A_576 : vector<16xf32>
        %mul3A_578 = arith.constant 16 : i32
        %mul3A_579 = arith.muli %scan3A_482, %mul3A_578 : i32
        %add3A_580 = arith.constant 6 : i32
        %add3A_581 = arith.addi %mul3A_579, %add3A_580 : i32
        %mul3A_582 = arith.constant 16 : i32
        %mul3A_583 = arith.muli %add3A_581, %mul3A_582 : i32
        %get3A_584 = arith.constant 0 : i32
        %get3A_585 = arith.constant 0 : i32
        %get3A_586 = arith.constant 0 : i32
        %get3A_587 = tpu.memref_slice %arg12[%scan3A_138, %get3A_585, %get3A_586] : memref<2x2x16384xf32, #tpu.memory_space<vmem>> -> memref<1x2x16384xf32, #tpu.memory_space<vmem>>
        %get3A_588 = tpu.memref_squeeze %get3A_587 : memref<1x2x16384xf32, #tpu.memory_space<vmem>> -> memref<2x16384xf32, #tpu.memory_space<vmem>>
        %get3A_589 = arith.index_cast %get3A_584 : i32 to index
        %get3A_590 = arith.index_cast %mul3A_583 : i32 to index
        %get3A_591 = tpu.vector_load %get3A_588[%get3A_589, %get3A_590] {strides = array<i32>} : memref<2x16384xf32, #tpu.memory_space<vmem>>, vector<16xf32>,
        %exp3A_592 = math.exp %get3A_591 : vector<16xf32>
        %add3A_593 = arith.addf %add3A_577, %exp3A_592 : vector<16xf32>
        %mul3A_594 = arith.constant 16 : i32
        %mul3A_595 = arith.muli %scan3A_482, %mul3A_594 : i32
        %add3A_596 = arith.constant 7 : i32
        %add3A_597 = arith.addi %mul3A_595, %add3A_596 : i32
        %mul3A_598 = arith.constant 16 : i32
        %mul3A_599 = arith.muli %add3A_597, %mul3A_598 : i32
        %get3A_600 = arith.constant 0 : i32
        %get3A_601 = arith.constant 0 : i32
        %get3A_602 = arith.constant 0 : i32
        %get3A_603 = tpu.memref_slice %arg12[%scan3A_138, %get3A_601, %get3A_602] : memref<2x2x16384xf32, #tpu.memory_space<vmem>> -> memref<1x2x16384xf32, #tpu.memory_space<vmem>>
        %get3A_604 = tpu.memref_squeeze %get3A_603 : memref<1x2x16384xf32, #tpu.memory_space<vmem>> -> memref<2x16384xf32, #tpu.memory_space<vmem>>
        %get3A_605 = arith.index_cast %get3A_600 : i32 to index
        %get3A_606 = arith.index_cast %mul3A_599 : i32 to index
        %get3A_607 = tpu.vector_load %get3A_604[%get3A_605, %get3A_606] {strides = array<i32>} : memref<2x16384xf32, #tpu.memory_space<vmem>>, vector<16xf32>,
        %exp3A_608 = math.exp %get3A_607 : vector<16xf32>
        %add3A_609 = arith.addf %add3A_593, %exp3A_608 : vector<16xf32>
        %mul3A_610 = arith.constant 16 : i32
        %mul3A_611 = arith.muli %scan3A_482, %mul3A_610 : i32
        %add3A_612 = arith.constant 8 : i32
        %add3A_613 = arith.addi %mul3A_611, %add3A_612 : i32
        %mul3A_614 = arith.constant 16 : i32
        %mul3A_615 = arith.muli %add3A_613, %mul3A_614 : i32
        %get3A_616 = arith.constant 0 : i32
        %get3A_617 = arith.constant 0 : i32
        %get3A_618 = arith.constant 0 : i32
        %get3A_619 = tpu.memref_slice %arg12[%scan3A_138, %get3A_617, %get3A_618] : memref<2x2x16384xf32, #tpu.memory_space<vmem>> -> memref<1x2x16384xf32, #tpu.memory_space<vmem>>
        %get3A_620 = tpu.memref_squeeze %get3A_619 : memref<1x2x16384xf32, #tpu.memory_space<vmem>> -> memref<2x16384xf32, #tpu.memory_space<vmem>>
        %get3A_621 = arith.index_cast %get3A_616 : i32 to index
        %get3A_622 = arith.index_cast %mul3A_615 : i32 to index
        %get3A_623 = tpu.vector_load %get3A_620[%get3A_621, %get3A_622] {strides = array<i32>} : memref<2x16384xf32, #tpu.memory_space<vmem>>, vector<16xf32>,
        %exp3A_624 = math.exp %get3A_623 : vector<16xf32>
        %add3A_625 = arith.addf %add3A_609, %exp3A_624 : vector<16xf32>
        %mul3A_626 = arith.constant 16 : i32
        %mul3A_627 = arith.muli %scan3A_482, %mul3A_626 : i32
        %add3A_628 = arith.constant 9 : i32
        %add3A_629 = arith.addi %mul3A_627, %add3A_628 : i32
        %mul3A_630 = arith.constant 16 : i32
        %mul3A_631 = arith.muli %add3A_629, %mul3A_630 : i32
        %get3A_632 = arith.constant 0 : i32
        %get3A_633 = arith.constant 0 : i32
        %get3A_634 = arith.constant 0 : i32
        %get3A_635 = tpu.memref_slice %arg12[%scan3A_138, %get3A_633, %get3A_634] : memref<2x2x16384xf32, #tpu.memory_space<vmem>> -> memref<1x2x16384xf32, #tpu.memory_space<vmem>>
        %get3A_636 = tpu.memref_squeeze %get3A_635 : memref<1x2x16384xf32, #tpu.memory_space<vmem>> -> memref<2x16384xf32, #tpu.memory_space<vmem>>
        %get3A_637 = arith.index_cast %get3A_632 : i32 to index
        %get3A_638 = arith.index_cast %mul3A_631 : i32 to index
        %get3A_639 = tpu.vector_load %get3A_636[%get3A_637, %get3A_638] {strides = array<i32>} : memref<2x16384xf32, #tpu.memory_space<vmem>>, vector<16xf32>,
        %exp3A_640 = math.exp %get3A_639 : vector<16xf32>
        %add3A_641 = arith.addf %add3A_625, %exp3A_640 : vector<16xf32>
        %mul3A_642 = arith.constant 16 : i32
        %mul3A_643 = arith.muli %scan3A_482, %mul3A_642 : i32
        %add3A_644 = arith.constant 10 : i32
        %add3A_645 = arith.addi %mul3A_643, %add3A_644 : i32
        %mul3A_646 = arith.constant 16 : i32
        %mul3A_647 = arith.muli %add3A_645, %mul3A_646 : i32
        %get3A_648 = arith.constant 0 : i32
        %get3A_649 = arith.constant 0 : i32
        %get3A_650 = arith.constant 0 : i32
        %get3A_651 = tpu.memref_slice %arg12[%scan3A_138, %get3A_649, %get3A_650] : memref<2x2x16384xf32, #tpu.memory_space<vmem>> -> memref<1x2x16384xf32, #tpu.memory_space<vmem>>
        %get3A_652 = tpu.memref_squeeze %get3A_651 : memref<1x2x16384xf32, #tpu.memory_space<vmem>> -> memref<2x16384xf32, #tpu.memory_space<vmem>>
        %get3A_653 = arith.index_cast %get3A_648 : i32 to index
        %get3A_654 = arith.index_cast %mul3A_647 : i32 to index
        %get3A_655 = tpu.vector_load %get3A_652[%get3A_653, %get3A_654] {strides = array<i32>} : memref<2x16384xf32, #tpu.memory_space<vmem>>, vector<16xf32>,
        %exp3A_656 = math.exp %get3A_655 : vector<16xf32>
        %add3A_657 = arith.addf %add3A_641, %exp3A_656 : vector<16xf32>
        %mul3A_658 = arith.constant 16 : i32
        %mul3A_659 = arith.muli %scan3A_482, %mul3A_658 : i32
        %add3A_660 = arith.constant 11 : i32
        %add3A_661 = arith.addi %mul3A_659, %add3A_660 : i32
        %mul3A_662 = arith.constant 16 : i32
        %mul3A_663 = arith.muli %add3A_661, %mul3A_662 : i32
        %get3A_664 = arith.constant 0 : i32
        %get3A_665 = arith.constant 0 : i32
        %get3A_666 = arith.constant 0 : i32
        %get3A_667 = tpu.memref_slice %arg12[%scan3A_138, %get3A_665, %get3A_666] : memref<2x2x16384xf32, #tpu.memory_space<vmem>> -> memref<1x2x16384xf32, #tpu.memory_space<vmem>>
        %get3A_668 = tpu.memref_squeeze %get3A_667 : memref<1x2x16384xf32, #tpu.memory_space<vmem>> -> memref<2x16384xf32, #tpu.memory_space<vmem>>
        %get3A_669 = arith.index_cast %get3A_664 : i32 to index
        %get3A_670 = arith.index_cast %mul3A_663 : i32 to index
        %get3A_671 = tpu.vector_load %get3A_668[%get3A_669, %get3A_670] {strides = array<i32>} : memref<2x16384xf32, #tpu.memory_space<vmem>>, vector<16xf32>,
        %exp3A_672 = math.exp %get3A_671 : vector<16xf32>
        %add3A_673 = arith.addf %add3A_657, %exp3A_672 : vector<16xf32>
        %mul3A_674 = arith.constant 16 : i32
        %mul3A_675 = arith.muli %scan3A_482, %mul3A_674 : i32
        %add3A_676 = arith.constant 12 : i32
        %add3A_677 = arith.addi %mul3A_675, %add3A_676 : i32
        %mul3A_678 = arith.constant 16 : i32
        %mul3A_679 = arith.muli %add3A_677, %mul3A_678 : i32
        %get3A_680 = arith.constant 0 : i32
        %get3A_681 = arith.constant 0 : i32
        %get3A_682 = arith.constant 0 : i32
        %get3A_683 = tpu.memref_slice %arg12[%scan3A_138, %get3A_681, %get3A_682] : memref<2x2x16384xf32, #tpu.memory_space<vmem>> -> memref<1x2x16384xf32, #tpu.memory_space<vmem>>
        %get3A_684 = tpu.memref_squeeze %get3A_683 : memref<1x2x16384xf32, #tpu.memory_space<vmem>> -> memref<2x16384xf32, #tpu.memory_space<vmem>>
        %get3A_685 = arith.index_cast %get3A_680 : i32 to index
        %get3A_686 = arith.index_cast %mul3A_679 : i32 to index
        %get3A_687 = tpu.vector_load %get3A_684[%get3A_685, %get3A_686] {strides = array<i32>} : memref<2x16384xf32, #tpu.memory_space<vmem>>, vector<16xf32>,
        %exp3A_688 = math.exp %get3A_687 : vector<16xf32>
        %add3A_689 = arith.addf %add3A_673, %exp3A_688 : vector<16xf32>
        %mul3A_690 = arith.constant 16 : i32
        %mul3A_691 = arith.muli %scan3A_482, %mul3A_690 : i32
        %add3A_692 = arith.constant 13 : i32
        %add3A_693 = arith.addi %mul3A_691, %add3A_692 : i32
        %mul3A_694 = arith.constant 16 : i32
        %mul3A_695 = arith.muli %add3A_693, %mul3A_694 : i32
        %get3A_696 = arith.constant 0 : i32
        %get3A_697 = arith.constant 0 : i32
        %get3A_698 = arith.constant 0 : i32
        %get3A_699 = tpu.memref_slice %arg12[%scan3A_138, %get3A_697, %get3A_698] : memref<2x2x16384xf32, #tpu.memory_space<vmem>> -> memref<1x2x16384xf32, #tpu.memory_space<vmem>>
        %get3A_700 = tpu.memref_squeeze %get3A_699 : memref<1x2x16384xf32, #tpu.memory_space<vmem>> -> memref<2x16384xf32, #tpu.memory_space<vmem>>
        %get3A_701 = arith.index_cast %get3A_696 : i32 to index
        %get3A_702 = arith.index_cast %mul3A_695 : i32 to index
        %get3A_703 = tpu.vector_load %get3A_700[%get3A_701, %get3A_702] {strides = array<i32>} : memref<2x16384xf32, #tpu.memory_space<vmem>>, vector<16xf32>,
        %exp3A_704 = math.exp %get3A_703 : vector<16xf32>
        %add3A_705 = arith.addf %add3A_689, %exp3A_704 : vector<16xf32>
        %mul3A_706 = arith.constant 16 : i32
        %mul3A_707 = arith.muli %scan3A_482, %mul3A_706 : i32
        %add3A_708 = arith.constant 14 : i32
        %add3A_709 = arith.addi %mul3A_707, %add3A_708 : i32
        %mul3A_710 = arith.constant 16 : i32
        %mul3A_711 = arith.muli %add3A_709, %mul3A_710 : i32
        %get3A_712 = arith.constant 0 : i32
        %get3A_713 = arith.constant 0 : i32
        %get3A_714 = arith.constant 0 : i32
        %get3A_715 = tpu.memref_slice %arg12[%scan3A_138, %get3A_713, %get3A_714] : memref<2x2x16384xf32, #tpu.memory_space<vmem>> -> memref<1x2x16384xf32, #tpu.memory_space<vmem>>
        %get3A_716 = tpu.memref_squeeze %get3A_715 : memref<1x2x16384xf32, #tpu.memory_space<vmem>> -> memref<2x16384xf32, #tpu.memory_space<vmem>>
        %get3A_717 = arith.index_cast %get3A_712 : i32 to index
        %get3A_718 = arith.index_cast %mul3A_711 : i32 to index
        %get3A_719 = tpu.vector_load %get3A_716[%get3A_717, %get3A_718] {strides = array<i32>} : memref<2x16384xf32, #tpu.memory_space<vmem>>, vector<16xf32>,
        %exp3A_720 = math.exp %get3A_719 : vector<16xf32>
        %add3A_721 = arith.addf %add3A_705, %exp3A_720 : vector<16xf32>
        %mul3A_722 = arith.constant 16 : i32
        %mul3A_723 = arith.muli %scan3A_482, %mul3A_722 : i32
        %add3A_724 = arith.constant 15 : i32
        %add3A_725 = arith.addi %mul3A_723, %add3A_724 : i32
        %mul3A_726 = arith.constant 16 : i32
        %mul3A_727 = arith.muli %add3A_725, %mul3A_726 : i32
        %get3A_728 = arith.constant 0 : i32
        %get3A_729 = arith.constant 0 : i32
        %get3A_730 = arith.constant 0 : i32
        %get3A_731 = tpu.memref_slice %arg12[%scan3A_138, %get3A_729, %get3A_730] : memref<2x2x16384xf32, #tpu.memory_space<vmem>> -> memref<1x2x16384xf32, #tpu.memory_space<vmem>>
        %get3A_732 = tpu.memref_squeeze %get3A_731 : memref<1x2x16384xf32, #tpu.memory_space<vmem>> -> memref<2x16384xf32, #tpu.memory_space<vmem>>
        %get3A_733 = arith.index_cast %get3A_728 : i32 to index
        %get3A_734 = arith.index_cast %mul3A_727 : i32 to index
        %get3A_735 = tpu.vector_load %get3A_732[%get3A_733, %get3A_734] {strides = array<i32>} : memref<2x16384xf32, #tpu.memory_space<vmem>>, vector<16xf32>,
        %exp3A_736 = math.exp %get3A_735 : vector<16xf32>
        %add3A_737 = arith.addf %add3A_721, %exp3A_736 : vector<16xf32>
        scf.yield %add3A_737 : vector<16xf32>
      }
      %scan3A_144 = arith.constant 64 : i32
      %reduce_sum3A = arith.constant true
      %reduce_sum3A_145 = vector.broadcast %reduce_sum3A : i1 to vector<16xi1>
      %reduce_sum3A_146 = tpu.scan <sum>, %scan3A_143 masked %reduce_sum3A_145 : vector<16xf32>, vector<16xi1> -> vector<16xf32>
      %reduce_sum3A_147 = vector.extract %reduce_sum3A_146[15] : f32 from vector<16xf32>
      %mul3A_148 = arith.constant 2 : i32
      %mul3A_149 = arith.muli %add3A_40, %mul3A_148 : i32
      %add3A_150 = arith.constant 0 : i32
      %add3A_151 = arith.addi %mul3A_149, %add3A_150 : i32
      %jit3A_152 = arith.constant 16 : i32
      %eq3A_153 = arith.constant 0 : i32
      %eq3A_154 = arith.cmpi eq, %jit3A_152, %eq3A_153 : i32
      %jit3A_155 = arith.constant 1 : i32
      %select_n3A_156 = arith.select %eq3A_154, %jit3A_155, %jit3A_152 : i32
      %rem3A_157 = arith.remsi %add3A_151, %select_n3A_156 : i32
      %ne3A_158 = arith.constant 0 : i32
      %ne3A_159 = arith.cmpi ne, %rem3A_157, %ne3A_158 : i32
      %lt3A_160 = arith.constant 0 : i32
      %lt3A_161 = arith.cmpi slt, %rem3A_157, %lt3A_160 : i32
      %lt3A_162 = arith.constant 0 : i32
      %lt3A_163 = arith.cmpi slt, %select_n3A_156, %lt3A_162 : i32
      %ne3A_164 = arith.xori %lt3A_161, %lt3A_163 : i1
      %and3A_165 = arith.andi %ne3A_164, %ne3A_159 : i1
      %add3A_166 = arith.addi %rem3A_157, %select_n3A_156 : i32
      %select_n3A_167 = arith.select %and3A_165, %add3A_166, %rem3A_157 : i32
      %eq3A_168 = vector.broadcast %select_n3A_167 : i32 to vector<16xi32>
      %eq3A_169 = arith.cmpi eq, %iota3A, %eq3A_168 : vector<16xi32>
      %broadcast_in_dim3A_170 = vector.broadcast %reduce_sum3A_147 : f32 to vector<16xf32>
      %select_n3A_171 = arith.select %eq3A_169, %broadcast_in_dim3A_170, %scan3A_35 : vector<16xi1>, vector<16xf32>
      %broadcast_in_dim3A_172 = arith.constant 0.000000e+00 : f32
      %broadcast_in_dim3A_173 = vector.broadcast %broadcast_in_dim3A_172 : f32 to vector<16xf32>
      %scan3A_174 = arith.constant 0 : i32
      %scan3A_175 = arith.constant 0 : i32
      %scan3A_176 = arith.constant 64 : i32
      %scan3A_177 = arith.addi %scan3A_175, %scan3A_176 : i32
      %scan3A_178 = arith.constant 1 : i32
      %scan3A_179 = scf.for %scan3A_482 = %scan3A_175 to %scan3A_177 step %scan3A_178 iter_args(%scan3A_483 = %broadcast_in_dim3A_173) -> (vector<16xf32>)  : i32 {
        %mul3A_484 = arith.constant 16 : i32
        %mul3A_485 = arith.muli %scan3A_482, %mul3A_484 : i32
        %add3A_486 = arith.constant 0 : i32
        %add3A_487 = arith.addi %mul3A_485, %add3A_486 : i32
        %mul3A_488 = arith.constant 16 : i32
        %mul3A_489 = arith.muli %add3A_487, %mul3A_488 : i32
        %get3A = arith.constant 1 : i32
        %get3A_490 = arith.constant 0 : i32
        %get3A_491 = arith.constant 0 : i32
        %get3A_492 = tpu.memref_slice %arg12[%scan3A_174, %get3A_490, %get3A_491] : memref<2x2x16384xf32, #tpu.memory_space<vmem>> -> memref<1x2x16384xf32, #tpu.memory_space<vmem>>
        %get3A_493 = tpu.memref_squeeze %get3A_492 : memref<1x2x16384xf32, #tpu.memory_space<vmem>> -> memref<2x16384xf32, #tpu.memory_space<vmem>>
        %get3A_494 = arith.index_cast %get3A : i32 to index
        %get3A_495 = arith.index_cast %mul3A_489 : i32 to index
        %get3A_496 = tpu.vector_load %get3A_493[%get3A_494, %get3A_495] {strides = array<i32>} : memref<2x16384xf32, #tpu.memory_space<vmem>>, vector<16xf32>,
        %exp3A = math.exp %get3A_496 : vector<16xf32>
        %add3A_497 = arith.addf %scan3A_483, %exp3A : vector<16xf32>
        %mul3A_498 = arith.constant 16 : i32
        %mul3A_499 = arith.muli %scan3A_482, %mul3A_498 : i32
        %add3A_500 = arith.constant 1 : i32
        %add3A_501 = arith.addi %mul3A_499, %add3A_500 : i32
        %mul3A_502 = arith.constant 16 : i32
        %mul3A_503 = arith.muli %add3A_501, %mul3A_502 : i32
        %get3A_504 = arith.constant 1 : i32
        %get3A_505 = arith.constant 0 : i32
        %get3A_506 = arith.constant 0 : i32
        %get3A_507 = tpu.memref_slice %arg12[%scan3A_174, %get3A_505, %get3A_506] : memref<2x2x16384xf32, #tpu.memory_space<vmem>> -> memref<1x2x16384xf32, #tpu.memory_space<vmem>>
        %get3A_508 = tpu.memref_squeeze %get3A_507 : memref<1x2x16384xf32, #tpu.memory_space<vmem>> -> memref<2x16384xf32, #tpu.memory_space<vmem>>
        %get3A_509 = arith.index_cast %get3A_504 : i32 to index
        %get3A_510 = arith.index_cast %mul3A_503 : i32 to index
        %get3A_511 = tpu.vector_load %get3A_508[%get3A_509, %get3A_510] {strides = array<i32>} : memref<2x16384xf32, #tpu.memory_space<vmem>>, vector<16xf32>,
        %exp3A_512 = math.exp %get3A_511 : vector<16xf32>
        %add3A_513 = arith.addf %add3A_497, %exp3A_512 : vector<16xf32>
        %mul3A_514 = arith.constant 16 : i32
        %mul3A_515 = arith.muli %scan3A_482, %mul3A_514 : i32
        %add3A_516 = arith.constant 2 : i32
        %add3A_517 = arith.addi %mul3A_515, %add3A_516 : i32
        %mul3A_518 = arith.constant 16 : i32
        %mul3A_519 = arith.muli %add3A_517, %mul3A_518 : i32
        %get3A_520 = arith.constant 1 : i32
        %get3A_521 = arith.constant 0 : i32
        %get3A_522 = arith.constant 0 : i32
        %get3A_523 = tpu.memref_slice %arg12[%scan3A_174, %get3A_521, %get3A_522] : memref<2x2x16384xf32, #tpu.memory_space<vmem>> -> memref<1x2x16384xf32, #tpu.memory_space<vmem>>
        %get3A_524 = tpu.memref_squeeze %get3A_523 : memref<1x2x16384xf32, #tpu.memory_space<vmem>> -> memref<2x16384xf32, #tpu.memory_space<vmem>>
        %get3A_525 = arith.index_cast %get3A_520 : i32 to index
        %get3A_526 = arith.index_cast %mul3A_519 : i32 to index
        %get3A_527 = tpu.vector_load %get3A_524[%get3A_525, %get3A_526] {strides = array<i32>} : memref<2x16384xf32, #tpu.memory_space<vmem>>, vector<16xf32>,
        %exp3A_528 = math.exp %get3A_527 : vector<16xf32>
        %add3A_529 = arith.addf %add3A_513, %exp3A_528 : vector<16xf32>
        %mul3A_530 = arith.constant 16 : i32
        %mul3A_531 = arith.muli %scan3A_482, %mul3A_530 : i32
        %add3A_532 = arith.constant 3 : i32
        %add3A_533 = arith.addi %mul3A_531, %add3A_532 : i32
        %mul3A_534 = arith.constant 16 : i32
        %mul3A_535 = arith.muli %add3A_533, %mul3A_534 : i32
        %get3A_536 = arith.constant 1 : i32
        %get3A_537 = arith.constant 0 : i32
        %get3A_538 = arith.constant 0 : i32
        %get3A_539 = tpu.memref_slice %arg12[%scan3A_174, %get3A_537, %get3A_538] : memref<2x2x16384xf32, #tpu.memory_space<vmem>> -> memref<1x2x16384xf32, #tpu.memory_space<vmem>>
        %get3A_540 = tpu.memref_squeeze %get3A_539 : memref<1x2x16384xf32, #tpu.memory_space<vmem>> -> memref<2x16384xf32, #tpu.memory_space<vmem>>
        %get3A_541 = arith.index_cast %get3A_536 : i32 to index
        %get3A_542 = arith.index_cast %mul3A_535 : i32 to index
        %get3A_543 = tpu.vector_load %get3A_540[%get3A_541, %get3A_542] {strides = array<i32>} : memref<2x16384xf32, #tpu.memory_space<vmem>>, vector<16xf32>,
        %exp3A_544 = math.exp %get3A_543 : vector<16xf32>
        %add3A_545 = arith.addf %add3A_529, %exp3A_544 : vector<16xf32>
        %mul3A_546 = arith.constant 16 : i32
        %mul3A_547 = arith.muli %scan3A_482, %mul3A_546 : i32
        %add3A_548 = arith.constant 4 : i32
        %add3A_549 = arith.addi %mul3A_547, %add3A_548 : i32
        %mul3A_550 = arith.constant 16 : i32
        %mul3A_551 = arith.muli %add3A_549, %mul3A_550 : i32
        %get3A_552 = arith.constant 1 : i32
        %get3A_553 = arith.constant 0 : i32
        %get3A_554 = arith.constant 0 : i32
        %get3A_555 = tpu.memref_slice %arg12[%scan3A_174, %get3A_553, %get3A_554] : memref<2x2x16384xf32, #tpu.memory_space<vmem>> -> memref<1x2x16384xf32, #tpu.memory_space<vmem>>
        %get3A_556 = tpu.memref_squeeze %get3A_555 : memref<1x2x16384xf32, #tpu.memory_space<vmem>> -> memref<2x16384xf32, #tpu.memory_space<vmem>>
        %get3A_557 = arith.index_cast %get3A_552 : i32 to index
        %get3A_558 = arith.index_cast %mul3A_551 : i32 to index
        %get3A_559 = tpu.vector_load %get3A_556[%get3A_557, %get3A_558] {strides = array<i32>} : memref<2x16384xf32, #tpu.memory_space<vmem>>, vector<16xf32>,
        %exp3A_560 = math.exp %get3A_559 : vector<16xf32>
        %add3A_561 = arith.addf %add3A_545, %exp3A_560 : vector<16xf32>
        %mul3A_562 = arith.constant 16 : i32
        %mul3A_563 = arith.muli %scan3A_482, %mul3A_562 : i32
        %add3A_564 = arith.constant 5 : i32
        %add3A_565 = arith.addi %mul3A_563, %add3A_564 : i32
        %mul3A_566 = arith.constant 16 : i32
        %mul3A_567 = arith.muli %add3A_565, %mul3A_566 : i32
        %get3A_568 = arith.constant 1 : i32
        %get3A_569 = arith.constant 0 : i32
        %get3A_570 = arith.constant 0 : i32
        %get3A_571 = tpu.memref_slice %arg12[%scan3A_174, %get3A_569, %get3A_570] : memref<2x2x16384xf32, #tpu.memory_space<vmem>> -> memref<1x2x16384xf32, #tpu.memory_space<vmem>>
        %get3A_572 = tpu.memref_squeeze %get3A_571 : memref<1x2x16384xf32, #tpu.memory_space<vmem>> -> memref<2x16384xf32, #tpu.memory_space<vmem>>
        %get3A_573 = arith.index_cast %get3A_568 : i32 to index
        %get3A_574 = arith.index_cast %mul3A_567 : i32 to index
        %get3A_575 = tpu.vector_load %get3A_572[%get3A_573, %get3A_574] {strides = array<i32>} : memref<2x16384xf32, #tpu.memory_space<vmem>>, vector<16xf32>,
        %exp3A_576 = math.exp %get3A_575 : vector<16xf32>
        %add3A_577 = arith.addf %add3A_561, %exp3A_576 : vector<16xf32>
        %mul3A_578 = arith.constant 16 : i32
        %mul3A_579 = arith.muli %scan3A_482, %mul3A_578 : i32
        %add3A_580 = arith.constant 6 : i32
        %add3A_581 = arith.addi %mul3A_579, %add3A_580 : i32
        %mul3A_582 = arith.constant 16 : i32
        %mul3A_583 = arith.muli %add3A_581, %mul3A_582 : i32
        %get3A_584 = arith.constant 1 : i32
        %get3A_585 = arith.constant 0 : i32
        %get3A_586 = arith.constant 0 : i32
        %get3A_587 = tpu.memref_slice %arg12[%scan3A_174, %get3A_585, %get3A_586] : memref<2x2x16384xf32, #tpu.memory_space<vmem>> -> memref<1x2x16384xf32, #tpu.memory_space<vmem>>
        %get3A_588 = tpu.memref_squeeze %get3A_587 : memref<1x2x16384xf32, #tpu.memory_space<vmem>> -> memref<2x16384xf32, #tpu.memory_space<vmem>>
        %get3A_589 = arith.index_cast %get3A_584 : i32 to index
        %get3A_590 = arith.index_cast %mul3A_583 : i32 to index
        %get3A_591 = tpu.vector_load %get3A_588[%get3A_589, %get3A_590] {strides = array<i32>} : memref<2x16384xf32, #tpu.memory_space<vmem>>, vector<16xf32>,
        %exp3A_592 = math.exp %get3A_591 : vector<16xf32>
        %add3A_593 = arith.addf %add3A_577, %exp3A_592 : vector<16xf32>
        %mul3A_594 = arith.constant 16 : i32
        %mul3A_595 = arith.muli %scan3A_482, %mul3A_594 : i32
        %add3A_596 = arith.constant 7 : i32
        %add3A_597 = arith.addi %mul3A_595, %add3A_596 : i32
        %mul3A_598 = arith.constant 16 : i32
        %mul3A_599 = arith.muli %add3A_597, %mul3A_598 : i32
        %get3A_600 = arith.constant 1 : i32
        %get3A_601 = arith.constant 0 : i32
        %get3A_602 = arith.constant 0 : i32
        %get3A_603 = tpu.memref_slice %arg12[%scan3A_174, %get3A_601, %get3A_602] : memref<2x2x16384xf32, #tpu.memory_space<vmem>> -> memref<1x2x16384xf32, #tpu.memory_space<vmem>>
        %get3A_604 = tpu.memref_squeeze %get3A_603 : memref<1x2x16384xf32, #tpu.memory_space<vmem>> -> memref<2x16384xf32, #tpu.memory_space<vmem>>
        %get3A_605 = arith.index_cast %get3A_600 : i32 to index
        %get3A_606 = arith.index_cast %mul3A_599 : i32 to index
        %get3A_607 = tpu.vector_load %get3A_604[%get3A_605, %get3A_606] {strides = array<i32>} : memref<2x16384xf32, #tpu.memory_space<vmem>>, vector<16xf32>,
        %exp3A_608 = math.exp %get3A_607 : vector<16xf32>
        %add3A_609 = arith.addf %add3A_593, %exp3A_608 : vector<16xf32>
        %mul3A_610 = arith.constant 16 : i32
        %mul3A_611 = arith.muli %scan3A_482, %mul3A_610 : i32
        %add3A_612 = arith.constant 8 : i32
        %add3A_613 = arith.addi %mul3A_611, %add3A_612 : i32
        %mul3A_614 = arith.constant 16 : i32
        %mul3A_615 = arith.muli %add3A_613, %mul3A_614 : i32
        %get3A_616 = arith.constant 1 : i32
        %get3A_617 = arith.constant 0 : i32
        %get3A_618 = arith.constant 0 : i32
        %get3A_619 = tpu.memref_slice %arg12[%scan3A_174, %get3A_617, %get3A_618] : memref<2x2x16384xf32, #tpu.memory_space<vmem>> -> memref<1x2x16384xf32, #tpu.memory_space<vmem>>
        %get3A_620 = tpu.memref_squeeze %get3A_619 : memref<1x2x16384xf32, #tpu.memory_space<vmem>> -> memref<2x16384xf32, #tpu.memory_space<vmem>>
        %get3A_621 = arith.index_cast %get3A_616 : i32 to index
        %get3A_622 = arith.index_cast %mul3A_615 : i32 to index
        %get3A_623 = tpu.vector_load %get3A_620[%get3A_621, %get3A_622] {strides = array<i32>} : memref<2x16384xf32, #tpu.memory_space<vmem>>, vector<16xf32>,
        %exp3A_624 = math.exp %get3A_623 : vector<16xf32>
        %add3A_625 = arith.addf %add3A_609, %exp3A_624 : vector<16xf32>
        %mul3A_626 = arith.constant 16 : i32
        %mul3A_627 = arith.muli %scan3A_482, %mul3A_626 : i32
        %add3A_628 = arith.constant 9 : i32
        %add3A_629 = arith.addi %mul3A_627, %add3A_628 : i32
        %mul3A_630 = arith.constant 16 : i32
        %mul3A_631 = arith.muli %add3A_629, %mul3A_630 : i32
        %get3A_632 = arith.constant 1 : i32
        %get3A_633 = arith.constant 0 : i32
        %get3A_634 = arith.constant 0 : i32
        %get3A_635 = tpu.memref_slice %arg12[%scan3A_174, %get3A_633, %get3A_634] : memref<2x2x16384xf32, #tpu.memory_space<vmem>> -> memref<1x2x16384xf32, #tpu.memory_space<vmem>>
        %get3A_636 = tpu.memref_squeeze %get3A_635 : memref<1x2x16384xf32, #tpu.memory_space<vmem>> -> memref<2x16384xf32, #tpu.memory_space<vmem>>
        %get3A_637 = arith.index_cast %get3A_632 : i32 to index
        %get3A_638 = arith.index_cast %mul3A_631 : i32 to index
        %get3A_639 = tpu.vector_load %get3A_636[%get3A_637, %get3A_638] {strides = array<i32>} : memref<2x16384xf32, #tpu.memory_space<vmem>>, vector<16xf32>,
        %exp3A_640 = math.exp %get3A_639 : vector<16xf32>
        %add3A_641 = arith.addf %add3A_625, %exp3A_640 : vector<16xf32>
        %mul3A_642 = arith.constant 16 : i32
        %mul3A_643 = arith.muli %scan3A_482, %mul3A_642 : i32
        %add3A_644 = arith.constant 10 : i32
        %add3A_645 = arith.addi %mul3A_643, %add3A_644 : i32
        %mul3A_646 = arith.constant 16 : i32
        %mul3A_647 = arith.muli %add3A_645, %mul3A_646 : i32
        %get3A_648 = arith.constant 1 : i32
        %get3A_649 = arith.constant 0 : i32
        %get3A_650 = arith.constant 0 : i32
        %get3A_651 = tpu.memref_slice %arg12[%scan3A_174, %get3A_649, %get3A_650] : memref<2x2x16384xf32, #tpu.memory_space<vmem>> -> memref<1x2x16384xf32, #tpu.memory_space<vmem>>
        %get3A_652 = tpu.memref_squeeze %get3A_651 : memref<1x2x16384xf32, #tpu.memory_space<vmem>> -> memref<2x16384xf32, #tpu.memory_space<vmem>>
        %get3A_653 = arith.index_cast %get3A_648 : i32 to index
        %get3A_654 = arith.index_cast %mul3A_647 : i32 to index
        %get3A_655 = tpu.vector_load %get3A_652[%get3A_653, %get3A_654] {strides = array<i32>} : memref<2x16384xf32, #tpu.memory_space<vmem>>, vector<16xf32>,
        %exp3A_656 = math.exp %get3A_655 : vector<16xf32>
        %add3A_657 = arith.addf %add3A_641, %exp3A_656 : vector<16xf32>
        %mul3A_658 = arith.constant 16 : i32
        %mul3A_659 = arith.muli %scan3A_482, %mul3A_658 : i32
        %add3A_660 = arith.constant 11 : i32
        %add3A_661 = arith.addi %mul3A_659, %add3A_660 : i32
        %mul3A_662 = arith.constant 16 : i32
        %mul3A_663 = arith.muli %add3A_661, %mul3A_662 : i32
        %get3A_664 = arith.constant 1 : i32
        %get3A_665 = arith.constant 0 : i32
        %get3A_666 = arith.constant 0 : i32
        %get3A_667 = tpu.memref_slice %arg12[%scan3A_174, %get3A_665, %get3A_666] : memref<2x2x16384xf32, #tpu.memory_space<vmem>> -> memref<1x2x16384xf32, #tpu.memory_space<vmem>>
        %get3A_668 = tpu.memref_squeeze %get3A_667 : memref<1x2x16384xf32, #tpu.memory_space<vmem>> -> memref<2x16384xf32, #tpu.memory_space<vmem>>
        %get3A_669 = arith.index_cast %get3A_664 : i32 to index
        %get3A_670 = arith.index_cast %mul3A_663 : i32 to index
        %get3A_671 = tpu.vector_load %get3A_668[%get3A_669, %get3A_670] {strides = array<i32>} : memref<2x16384xf32, #tpu.memory_space<vmem>>, vector<16xf32>,
        %exp3A_672 = math.exp %get3A_671 : vector<16xf32>
        %add3A_673 = arith.addf %add3A_657, %exp3A_672 : vector<16xf32>
        %mul3A_674 = arith.constant 16 : i32
        %mul3A_675 = arith.muli %scan3A_482, %mul3A_674 : i32
        %add3A_676 = arith.constant 12 : i32
        %add3A_677 = arith.addi %mul3A_675, %add3A_676 : i32
        %mul3A_678 = arith.constant 16 : i32
        %mul3A_679 = arith.muli %add3A_677, %mul3A_678 : i32
        %get3A_680 = arith.constant 1 : i32
        %get3A_681 = arith.constant 0 : i32
        %get3A_682 = arith.constant 0 : i32
        %get3A_683 = tpu.memref_slice %arg12[%scan3A_174, %get3A_681, %get3A_682] : memref<2x2x16384xf32, #tpu.memory_space<vmem>> -> memref<1x2x16384xf32, #tpu.memory_space<vmem>>
        %get3A_684 = tpu.memref_squeeze %get3A_683 : memref<1x2x16384xf32, #tpu.memory_space<vmem>> -> memref<2x16384xf32, #tpu.memory_space<vmem>>
        %get3A_685 = arith.index_cast %get3A_680 : i32 to index
        %get3A_686 = arith.index_cast %mul3A_679 : i32 to index
        %get3A_687 = tpu.vector_load %get3A_684[%get3A_685, %get3A_686] {strides = array<i32>} : memref<2x16384xf32, #tpu.memory_space<vmem>>, vector<16xf32>,
        %exp3A_688 = math.exp %get3A_687 : vector<16xf32>
        %add3A_689 = arith.addf %add3A_673, %exp3A_688 : vector<16xf32>
        %mul3A_690 = arith.constant 16 : i32
        %mul3A_691 = arith.muli %scan3A_482, %mul3A_690 : i32
        %add3A_692 = arith.constant 13 : i32
        %add3A_693 = arith.addi %mul3A_691, %add3A_692 : i32
        %mul3A_694 = arith.constant 16 : i32
        %mul3A_695 = arith.muli %add3A_693, %mul3A_694 : i32
        %get3A_696 = arith.constant 1 : i32
        %get3A_697 = arith.constant 0 : i32
        %get3A_698 = arith.constant 0 : i32
        %get3A_699 = tpu.memref_slice %arg12[%scan3A_174, %get3A_697, %get3A_698] : memref<2x2x16384xf32, #tpu.memory_space<vmem>> -> memref<1x2x16384xf32, #tpu.memory_space<vmem>>
        %get3A_700 = tpu.memref_squeeze %get3A_699 : memref<1x2x16384xf32, #tpu.memory_space<vmem>> -> memref<2x16384xf32, #tpu.memory_space<vmem>>
        %get3A_701 = arith.index_cast %get3A_696 : i32 to index
        %get3A_702 = arith.index_cast %mul3A_695 : i32 to index
        %get3A_703 = tpu.vector_load %get3A_700[%get3A_701, %get3A_702] {strides = array<i32>} : memref<2x16384xf32, #tpu.memory_space<vmem>>, vector<16xf32>,
        %exp3A_704 = math.exp %get3A_703 : vector<16xf32>
        %add3A_705 = arith.addf %add3A_689, %exp3A_704 : vector<16xf32>
        %mul3A_706 = arith.constant 16 : i32
        %mul3A_707 = arith.muli %scan3A_482, %mul3A_706 : i32
        %add3A_708 = arith.constant 14 : i32
        %add3A_709 = arith.addi %mul3A_707, %add3A_708 : i32
        %mul3A_710 = arith.constant 16 : i32
        %mul3A_711 = arith.muli %add3A_709, %mul3A_710 : i32
        %get3A_712 = arith.constant 1 : i32
        %get3A_713 = arith.constant 0 : i32
        %get3A_714 = arith.constant 0 : i32
        %get3A_715 = tpu.memref_slice %arg12[%scan3A_174, %get3A_713, %get3A_714] : memref<2x2x16384xf32, #tpu.memory_space<vmem>> -> memref<1x2x16384xf32, #tpu.memory_space<vmem>>
        %get3A_716 = tpu.memref_squeeze %get3A_715 : memref<1x2x16384xf32, #tpu.memory_space<vmem>> -> memref<2x16384xf32, #tpu.memory_space<vmem>>
        %get3A_717 = arith.index_cast %get3A_712 : i32 to index
        %get3A_718 = arith.index_cast %mul3A_711 : i32 to index
        %get3A_719 = tpu.vector_load %get3A_716[%get3A_717, %get3A_718] {strides = array<i32>} : memref<2x16384xf32, #tpu.memory_space<vmem>>, vector<16xf32>,
        %exp3A_720 = math.exp %get3A_719 : vector<16xf32>
        %add3A_721 = arith.addf %add3A_705, %exp3A_720 : vector<16xf32>
        %mul3A_722 = arith.constant 16 : i32
        %mul3A_723 = arith.muli %scan3A_482, %mul3A_722 : i32
        %add3A_724 = arith.constant 15 : i32
        %add3A_725 = arith.addi %mul3A_723, %add3A_724 : i32
        %mul3A_726 = arith.constant 16 : i32
        %mul3A_727 = arith.muli %add3A_725, %mul3A_726 : i32
        %get3A_728 = arith.constant 1 : i32
        %get3A_729 = arith.constant 0 : i32
        %get3A_730 = arith.constant 0 : i32
        %get3A_731 = tpu.memref_slice %arg12[%scan3A_174, %get3A_729, %get3A_730] : memref<2x2x16384xf32, #tpu.memory_space<vmem>> -> memref<1x2x16384xf32, #tpu.memory_space<vmem>>
        %get3A_732 = tpu.memref_squeeze %get3A_731 : memref<1x2x16384xf32, #tpu.memory_space<vmem>> -> memref<2x16384xf32, #tpu.memory_space<vmem>>
        %get3A_733 = arith.index_cast %get3A_728 : i32 to index
        %get3A_734 = arith.index_cast %mul3A_727 : i32 to index
        %get3A_735 = tpu.vector_load %get3A_732[%get3A_733, %get3A_734] {strides = array<i32>} : memref<2x16384xf32, #tpu.memory_space<vmem>>, vector<16xf32>,
        %exp3A_736 = math.exp %get3A_735 : vector<16xf32>
        %add3A_737 = arith.addf %add3A_721, %exp3A_736 : vector<16xf32>
        scf.yield %add3A_737 : vector<16xf32>
      }
      %scan3A_180 = arith.constant 64 : i32
      %reduce_sum3A_181 = arith.constant true
      %reduce_sum3A_182 = vector.broadcast %reduce_sum3A_181 : i1 to vector<16xi1>
      %reduce_sum3A_183 = tpu.scan <sum>, %scan3A_179 masked %reduce_sum3A_182 : vector<16xf32>, vector<16xi1> -> vector<16xf32>
      %reduce_sum3A_184 = vector.extract %reduce_sum3A_183[15] : f32 from vector<16xf32>
      %mul3A_185 = arith.constant 2 : i32
      %mul3A_186 = arith.muli %add3A_40, %mul3A_185 : i32
      %add3A_187 = arith.constant 1 : i32
      %add3A_188 = arith.addi %mul3A_186, %add3A_187 : i32
      %jit3A_189 = arith.constant 16 : i32
      %eq3A_190 = arith.constant 0 : i32
      %eq3A_191 = arith.cmpi eq, %jit3A_189, %eq3A_190 : i32
      %jit3A_192 = arith.constant 1 : i32
      %select_n3A_193 = arith.select %eq3A_191, %jit3A_192, %jit3A_189 : i32
      %rem3A_194 = arith.remsi %add3A_188, %select_n3A_193 : i32
      %ne3A_195 = arith.constant 0 : i32
      %ne3A_196 = arith.cmpi ne, %rem3A_194, %ne3A_195 : i32
      %lt3A_197 = arith.constant 0 : i32
      %lt3A_198 = arith.cmpi slt, %rem3A_194, %lt3A_197 : i32
      %lt3A_199 = arith.constant 0 : i32
      %lt3A_200 = arith.cmpi slt, %select_n3A_193, %lt3A_199 : i32
      %ne3A_201 = arith.xori %lt3A_198, %lt3A_200 : i1
      %and3A_202 = arith.andi %ne3A_201, %ne3A_196 : i1
      %add3A_203 = arith.addi %rem3A_194, %select_n3A_193 : i32
      %select_n3A_204 = arith.select %and3A_202, %add3A_203, %rem3A_194 : i32
      %eq3A_205 = vector.broadcast %select_n3A_204 : i32 to vector<16xi32>
      %eq3A_206 = arith.cmpi eq, %iota3A, %eq3A_205 : vector<16xi32>
      %broadcast_in_dim3A_207 = vector.broadcast %reduce_sum3A_184 : f32 to vector<16xf32>
      %select_n3A_208 = arith.select %eq3A_206, %broadcast_in_dim3A_207, %select_n3A_171 : vector<16xi1>, vector<16xf32>
      %mul3A_209 = arith.constant 2 : i32
      %mul3A_210 = arith.muli %add3A_40, %mul3A_209 : i32
      %jit3A_211 = arith.constant 16 : i32
      %eq3A_212 = arith.constant 0 : i32
      %eq3A_213 = arith.cmpi eq, %jit3A_211, %eq3A_212 : i32
      %jit3A_214 = arith.constant 1 : i32
      %select_n3A_215 = arith.select %eq3A_213, %jit3A_214, %jit3A_211 : i32
      %rem3A_216 = arith.remsi %mul3A_210, %select_n3A_215 : i32
      %ne3A_217 = arith.constant 0 : i32
      %ne3A_218 = arith.cmpi ne, %rem3A_216, %ne3A_217 : i32
      %lt3A_219 = arith.constant 0 : i32
      %lt3A_220 = arith.cmpi slt, %rem3A_216, %lt3A_219 : i32
      %lt3A_221 = arith.constant 0 : i32
      %lt3A_222 = arith.cmpi slt, %select_n3A_215, %lt3A_221 : i32
      %ne3A_223 = arith.xori %lt3A_220, %lt3A_222 : i1
      %and3A_224 = arith.andi %ne3A_223, %ne3A_218 : i1
      %add3A_225 = arith.addi %rem3A_216, %select_n3A_215 : i32
      %select_n3A_226 = arith.select %and3A_224, %add3A_225, %rem3A_216 : i32
      %eq3A_227 = arith.constant 14 : i32
      %eq3A_228 = arith.cmpi eq, %select_n3A_226, %eq3A_227 : i32
      %convert_element_type3A = arith.extui %eq3A_228 : i1 to i32
      %cond3A = arith.constant 0 : i32
      %cond3A_229 = arith.cmpi ne, %convert_element_type3A, %cond3A : i32
      scf.if %cond3A_229 {
        %mul3A_482 = arith.constant 2 : i32
        %mul3A_483 = arith.muli %add3A_40, %mul3A_482 : i32
        %jit3A_484 = arith.constant 16 : i32
        %div3A = arith.divsi %mul3A_483, %jit3A_484 : i32
        %sign3A = arith.constant 0 : i32
        %sign3A_485 = arith.cmpi sgt, %mul3A_483, %sign3A : i32
        %sign3A_486 = arith.extui %sign3A_485 : i1 to i32
        %sign3A_487 = arith.constant 0 : i32
        %sign3A_488 = arith.cmpi slt, %mul3A_483, %sign3A_487 : i32
        %sign3A_489 = arith.extui %sign3A_488 : i1 to i32
        %sign3A_490 = arith.subi %sign3A_486, %sign3A_489 : i32
        %sign3A_491 = arith.constant 0 : i32
        %sign3A_492 = arith.cmpi sgt, %jit3A_484, %sign3A_491 : i32
        %sign3A_493 = arith.extui %sign3A_492 : i1 to i32
        %sign3A_494 = arith.constant 0 : i32
        %sign3A_495 = arith.cmpi slt, %jit3A_484, %sign3A_494 : i32
        %sign3A_496 = arith.extui %sign3A_495 : i1 to i32
        %sign3A_497 = arith.subi %sign3A_493, %sign3A_496 : i32
        %ne3A_498 = arith.cmpi ne, %sign3A_490, %sign3A_497 : i32
        %rem3A_499 = arith.remsi %mul3A_483, %jit3A_484 : i32
        %ne3A_500 = arith.constant 0 : i32
        %ne3A_501 = arith.cmpi ne, %rem3A_499, %ne3A_500 : i32
        %and3A_502 = arith.andi %ne3A_498, %ne3A_501 : i1
        %sub3A = arith.constant 1 : i32
        %sub3A_503 = arith.subi %div3A, %sub3A : i32
        %select_n3A_504 = arith.select %and3A_502, %sub3A_503, %div3A : i32
        %mul3A_505 = arith.constant 16 : i32
        %mul3A_506 = arith.muli %select_n3A_504, %mul3A_505 : i32
        %swap3A = arith.index_cast %mul3A_506 : i32 to index
        %swap3A_507 = tpu.vector_load %arg10[%swap3A] {strides = array<i32>} : memref<256xf32, #tpu.memory_space<vmem>>, vector<16xf32>,
        tpu.vector_store %arg10[%swap3A], %select_n3A_208 {strides = array<i32>} : memref<256xf32, #tpu.memory_space<vmem>>, vector<16xf32>,
        %swap3A_508 = arith.index_cast %mul3A_506 : i32 to index
        %swap3A_509 = tpu.vector_load %arg11[%swap3A_508] {strides = array<i32>} : memref<256xf32, #tpu.memory_space<vmem>>, vector<16xf32>,
        tpu.vector_store %arg11[%swap3A_508], %select_n3A_135 {strides = array<i32>} : memref<256xf32, #tpu.memory_space<vmem>>, vector<16xf32>,
      } else {
      }
      %mul3A_230 = arith.constant 2 : i32
      %mul3A_231 = arith.muli %add3A_40, %mul3A_230 : i32
      %add3A_232 = arith.addi %mul3A_2, %mul3A_231 : i32
      %dma_wait3A_233 = arith.constant 0 : i32
      %dma_wait3A_234 = arith.constant 0 : i32
      %dma_wait3A_235 = arith.constant 0 : i32
      %dma_wait3A_236 = tpu.memref_slice %arg12[%dma_wait3A_233, %dma_wait3A_234, %dma_wait3A_235] : memref<2x2x16384xf32, #tpu.memory_space<vmem>> -> memref<1x2x16384xf32, #tpu.memory_space<vmem>>
      %dma_wait3A_237 = tpu.memref_squeeze %dma_wait3A_236 : memref<1x2x16384xf32, #tpu.memory_space<vmem>> -> memref<2x16384xf32, #tpu.memory_space<vmem>>
      %dma_wait3A_238 = arith.constant 0 : i32
      %dma_wait3A_239 = tpu.memref_slice %arg5[%add3A_232, %dma_wait3A_238] : memref<8192x16384xf32, #tpu.memory_space<hbm>> -> memref<2x16384xf32, #tpu.memory_space<hbm>>
      %dma_wait3A_240 = arith.constant 0 : i32
      %dma_wait3A_241 = tpu.memref_slice %arg5[%add3A_232, %dma_wait3A_240] : memref<8192x16384xf32, #tpu.memory_space<hbm>> -> memref<2x16384xf32, #tpu.memory_space<hbm>>
      %dma_wait3A_242 = arith.constant 0 : i32
      %dma_wait3A_243 = arith.constant 0 : i32
      %dma_wait3A_244 = tpu.memref_slice %arg12[%dma_wait3A_233, %dma_wait3A_242, %dma_wait3A_243] : memref<2x2x16384xf32, #tpu.memory_space<vmem>> -> memref<1x2x16384xf32, #tpu.memory_space<vmem>>
      %dma_wait3A_245 = tpu.memref_squeeze %dma_wait3A_244 : memref<1x2x16384xf32, #tpu.memory_space<vmem>> -> memref<2x16384xf32, #tpu.memory_space<vmem>>
      tpu.wait_dma2 semaphore(%arg15 : memref<!tpu.dma_semaphore, #tpu.memory_space<semaphore_mem>>) src(%dma_wait3A_245 : memref<2x16384xf32, #tpu.memory_space<vmem>>) dst(%dma_wait3A_241 : memref<2x16384xf32, #tpu.memory_space<hbm>>)
      %add3A_246 = arith.constant 2 : i32
      %add3A_247 = arith.addi %add3A_40, %add3A_246 : i32
      %lt3A_248 = arith.constant 128 : i32
      %lt3A_249 = arith.cmpi slt, %add3A_247, %lt3A_248 : i32
      %convert_element_type3A_250 = arith.extui %lt3A_249 : i1 to i32
      %cond3A_251 = arith.constant 0 : i32
      %cond3A_252 = arith.cmpi ne, %convert_element_type3A_250, %cond3A_251 : i32
      scf.if %cond3A_252 {
        %add3A_482 = arith.constant 2 : i32
        %add3A_483 = arith.addi %add3A_40, %add3A_482 : i32
        %dma_start3A_484 = arith.constant 0 : i32
        %dma_start3A_485 = arith.constant 0 : i32
        %dma_start3A_486 = arith.constant 0 : i32
        %dma_start3A_487 = tpu.memref_slice %arg12[%dma_start3A_484, %dma_start3A_485, %dma_start3A_486] : memref<2x2x16384xf32, #tpu.memory_space<vmem>> -> memref<1x2x16384xf32, #tpu.memory_space<vmem>>
        %dma_start3A_488 = tpu.memref_squeeze %dma_start3A_487 : memref<1x2x16384xf32, #tpu.memory_space<vmem>> -> memref<2x16384xf32, #tpu.memory_space<vmem>>
        %dma_start3A_489 = arith.constant 0 : i32
        %dma_start3A_490 = tpu.memref_slice %arg8[%add3A_483, %dma_start3A_489] : memref<128x2xi32, #tpu.memory_space<vmem>> -> memref<1x2xi32, #tpu.memory_space<vmem>>
        %dma_start3A_491 = tpu.memref_squeeze %dma_start3A_490 : memref<1x2xi32, #tpu.memory_space<vmem>> -> memref<2xi32, #tpu.memory_space<vmem>>
        %dma_start3A_492 = arith.constant 0 : i32
        %dma_start3A_493 = arith.constant 0 : i32
        %dma_start3A_494 = tpu.memref_slice %arg4[%dma_start3A_492, %dma_start3A_493] : memref<16384x16384xf32, #tpu.memory_space<hbm>> -> memref<16384x16384xf32, #tpu.memory_space<hbm>>
        tpu.enqueue_indirect_dma source(%dma_start3A_494 : memref<16384x16384xf32, #tpu.memory_space<hbm>>) target(%dma_start3A_488 : memref<2x16384xf32, #tpu.memory_space<vmem>>) offsets(%dma_start3A_491 : memref<2xi32, #tpu.memory_space<vmem>>) semaphore(%arg13 : memref<!tpu.dma_semaphore, #tpu.memory_space<semaphore_mem>>)
      } else {
      }
      %mul3A_253 = arith.constant 2 : i32
      %mul3A_254 = arith.muli %mul3A_253, %scan3A_34 : i32
      %add3A_255 = arith.constant 1 : i32
      %add3A_256 = arith.addi %mul3A_254, %add3A_255 : i32
      %dma_wait3A_257 = arith.constant 1 : i32
      %dma_wait3A_258 = arith.constant 0 : i32
      %dma_wait3A_259 = arith.constant 0 : i32
      %dma_wait3A_260 = tpu.memref_slice %arg12[%dma_wait3A_257, %dma_wait3A_258, %dma_wait3A_259] : memref<2x2x16384xf32, #tpu.memory_space<vmem>> -> memref<1x2x16384xf32, #tpu.memory_space<vmem>>
      %dma_wait3A_261 = tpu.memref_squeeze %dma_wait3A_260 : memref<1x2x16384xf32, #tpu.memory_space<vmem>> -> memref<2x16384xf32, #tpu.memory_space<vmem>>
      %dma_wait3A_262 = arith.constant 0 : i32
      %dma_wait3A_263 = tpu.memref_slice %arg8[%add3A_256, %dma_wait3A_262] : memref<128x2xi32, #tpu.memory_space<vmem>> -> memref<1x2xi32, #tpu.memory_space<vmem>>
      %dma_wait3A_264 = tpu.memref_squeeze %dma_wait3A_263 : memref<1x2xi32, #tpu.memory_space<vmem>> -> memref<2xi32, #tpu.memory_space<vmem>>
      %dma_wait3A_265 = arith.constant 0 : i32
      %dma_wait3A_266 = arith.constant 0 : i32
      %dma_wait3A_267 = tpu.memref_slice %arg4[%dma_wait3A_265, %dma_wait3A_266] : memref<16384x16384xf32, #tpu.memory_space<hbm>> -> memref<16384x16384xf32, #tpu.memory_space<hbm>>
      tpu.wait_indirect_dma semaphore(%arg14 : memref<!tpu.dma_semaphore, #tpu.memory_space<semaphore_mem>>) src(%dma_wait3A_267 : memref<16384x16384xf32, #tpu.memory_space<hbm>>) dst(%dma_wait3A_261 : memref<2x16384xf32, #tpu.memory_space<vmem>>)
      %mul3A_268 = arith.constant 2 : i32
      %mul3A_269 = arith.muli %add3A_256, %mul3A_268 : i32
      %add3A_270 = arith.addi %mul3A_2, %mul3A_269 : i32
      %dma_start3A_271 = arith.constant 1 : i32
      %dma_start3A_272 = arith.constant 0 : i32
      %dma_start3A_273 = arith.constant 0 : i32
      %dma_start3A_274 = tpu.memref_slice %arg12[%dma_start3A_271, %dma_start3A_272, %dma_start3A_273] : memref<2x2x16384xf32, #tpu.memory_space<vmem>> -> memref<1x2x16384xf32, #tpu.memory_space<vmem>>
      %dma_start3A_275 = tpu.memref_squeeze %dma_start3A_274 : memref<1x2x16384xf32, #tpu.memory_space<vmem>> -> memref<2x16384xf32, #tpu.memory_space<vmem>>
      %dma_start3A_276 = arith.constant 0 : i32
      %dma_start3A_277 = tpu.memref_slice %arg5[%add3A_270, %dma_start3A_276] : memref<8192x16384xf32, #tpu.memory_space<hbm>> -> memref<2x16384xf32, #tpu.memory_space<hbm>>
      %dma_start3A_278 = arith.constant 0 : i32
      %dma_start3A_279 = tpu.memref_slice %arg5[%add3A_270, %dma_start3A_278] : memref<8192x16384xf32, #tpu.memory_space<hbm>> -> memref<2x16384xf32, #tpu.memory_space<hbm>>
      %dma_start3A_280 = arith.constant 0 : i32
      %dma_start3A_281 = arith.constant 0 : i32
      %dma_start3A_282 = tpu.memref_slice %arg12[%dma_start3A_271, %dma_start3A_280, %dma_start3A_281] : memref<2x2x16384xf32, #tpu.memory_space<vmem>> -> memref<1x2x16384xf32, #tpu.memory_space<vmem>>
      %dma_start3A_283 = tpu.memref_squeeze %dma_start3A_282 : memref<1x2x16384xf32, #tpu.memory_space<vmem>> -> memref<2x16384xf32, #tpu.memory_space<vmem>>
      tpu.enqueue_dma source(%dma_start3A_283 : memref<2x16384xf32, #tpu.memory_space<vmem>>) target(%dma_start3A_279 : memref<2x16384xf32, #tpu.memory_space<hbm>>) target_semaphore(%arg16 : memref<!tpu.dma_semaphore, #tpu.memory_space<semaphore_mem>>)
      %mul3A_284 = arith.constant 2 : i32
      %mul3A_285 = arith.muli %add3A_256, %mul3A_284 : i32
      %jit3A_286 = arith.constant 2 : i32
      %eq3A_287 = arith.constant 0 : i32
      %eq3A_288 = arith.cmpi eq, %jit3A_286, %eq3A_287 : i32
      %jit3A_289 = arith.constant 1 : i32
      %select_n3A_290 = arith.select %eq3A_288, %jit3A_289, %jit3A_286 : i32
      %rem3A_291 = vector.broadcast %select_n3A_290 : i32 to vector<16xi32>
      %rem3A_292 = arith.remsi %iota3A, %rem3A_291 : vector<16xi32>
      %ne3A_293 = arith.constant 0 : i32
      %ne3A_294 = vector.broadcast %ne3A_293 : i32 to vector<16xi32>
      %ne3A_295 = arith.cmpi ne, %rem3A_292, %ne3A_294 : vector<16xi32>
      %lt3A_296 = arith.constant 0 : i32
      %lt3A_297 = vector.broadcast %lt3A_296 : i32 to vector<16xi32>
      %lt3A_298 = arith.cmpi slt, %rem3A_292, %lt3A_297 : vector<16xi32>
      %lt3A_299 = arith.constant 0 : i32
      %lt3A_300 = arith.cmpi slt, %select_n3A_290, %lt3A_299 : i32
      %ne3A_301 = vector.broadcast %lt3A_300 : i1 to vector<16xi1>
      %ne3A_302 = vector.broadcast %ne3A_301 : vector<16xi1> to vector<16xi1>
      %ne3A_303 = arith.xori %lt3A_298, %ne3A_302 : vector<16xi1>
      %and3A_304 = arith.andi %ne3A_303, %ne3A_295 : vector<16xi1>
      %add3A_305 = vector.broadcast %select_n3A_290 : i32 to vector<16xi32>
      %add3A_306 = arith.addi %rem3A_292, %add3A_305 : vector<16xi32>
      %select_n3A_307 = arith.select %and3A_304, %add3A_306, %rem3A_292 : vector<16xi1>, vector<16xi32>
      %add3A_308 = vector.broadcast %mul3A_285 : i32 to vector<16xi32>
      %add3A_309 = arith.addi %add3A_308, %select_n3A_307 : vector<16xi32>
      %gather3A_310 = tpu.vector_load_idx %arg9[%add3A_309] : memref<256xi32, #tpu.memory_space<vmem>>[vector<16xi32>], vector<16xi32>,
      %broadcast_in_dim3A_311 = arith.constant 1 : i32
      %broadcast_in_dim3A_312 = vector.broadcast %broadcast_in_dim3A_311 : i32 to vector<16xi32>
      %jit3A_313 = arith.constant 2 : i32
      %eq3A_314 = arith.constant 0 : i32
      %eq3A_315 = arith.cmpi eq, %jit3A_313, %eq3A_314 : i32
      %jit3A_316 = arith.constant 1 : i32
      %select_n3A_317 = arith.select %eq3A_315, %jit3A_316, %jit3A_313 : i32
      %rem3A_318 = vector.broadcast %select_n3A_317 : i32 to vector<16xi32>
      %rem3A_319 = arith.remsi %iota3A, %rem3A_318 : vector<16xi32>
      %ne3A_320 = arith.constant 0 : i32
      %ne3A_321 = vector.broadcast %ne3A_320 : i32 to vector<16xi32>
      %ne3A_322 = arith.cmpi ne, %rem3A_319, %ne3A_321 : vector<16xi32>
      %lt3A_323 = arith.constant 0 : i32
      %lt3A_324 = vector.broadcast %lt3A_323 : i32 to vector<16xi32>
      %lt3A_325 = arith.cmpi slt, %rem3A_319, %lt3A_324 : vector<16xi32>
      %lt3A_326 = arith.constant 0 : i32
      %lt3A_327 = arith.cmpi slt, %select_n3A_317, %lt3A_326 : i32
      %ne3A_328 = vector.broadcast %lt3A_327 : i1 to vector<16xi1>
      %ne3A_329 = vector.broadcast %ne3A_328 : vector<16xi1> to vector<16xi1>
      %ne3A_330 = arith.xori %lt3A_325, %ne3A_329 : vector<16xi1>
      %and3A_331 = arith.andi %ne3A_330, %ne3A_322 : vector<16xi1>
      %add3A_332 = vector.broadcast %select_n3A_317 : i32 to vector<16xi32>
      %add3A_333 = arith.addi %rem3A_319, %add3A_332 : vector<16xi32>
      %select_n3A_334 = arith.select %and3A_331, %add3A_333, %rem3A_319 : vector<16xi1>, vector<16xi32>
      %gather3A_335 = tpu.vector_load_idx %arg12[%broadcast_in_dim3A_312, %select_n3A_334, %gather3A_310] : memref<2x2x16384xf32, #tpu.memory_space<vmem>>[vector<16xi32>, vector<16xi32>, vector<16xi32>], vector<16xf32>,
      %mul3A_336 = arith.constant 2 : i32
      %mul3A_337 = arith.muli %add3A_256, %mul3A_336 : i32
      %jit3A_338 = arith.constant 16 : i32
      %eq3A_339 = arith.constant 0 : i32
      %eq3A_340 = arith.cmpi eq, %jit3A_338, %eq3A_339 : i32
      %jit3A_341 = arith.constant 1 : i32
      %select_n3A_342 = arith.select %eq3A_340, %jit3A_341, %jit3A_338 : i32
      %rem3A_343 = arith.remsi %mul3A_337, %select_n3A_342 : i32
      %ne3A_344 = arith.constant 0 : i32
      %ne3A_345 = arith.cmpi ne, %rem3A_343, %ne3A_344 : i32
      %lt3A_346 = arith.constant 0 : i32
      %lt3A_347 = arith.cmpi slt, %rem3A_343, %lt3A_346 : i32
      %lt3A_348 = arith.constant 0 : i32
      %lt3A_349 = arith.cmpi slt, %select_n3A_342, %lt3A_348 : i32
      %ne3A_350 = arith.xori %lt3A_347, %lt3A_349 : i1
      %and3A_351 = arith.andi %ne3A_350, %ne3A_345 : i1
      %add3A_352 = arith.addi %rem3A_343, %select_n3A_342 : i32
      %select_n3A_353 = arith.select %and3A_351, %add3A_352, %rem3A_343 : i32
      %ge3A_354 = vector.broadcast %select_n3A_353 : i32 to vector<16xi32>
      %ge3A_355 = arith.cmpi sge, %iota3A, %ge3A_354 : vector<16xi32>
      %add3A_356 = arith.constant 2 : i32
      %add3A_357 = arith.addi %select_n3A_353, %add3A_356 : i32
      %lt3A_358 = vector.broadcast %add3A_357 : i32 to vector<16xi32>
      %lt3A_359 = arith.cmpi slt, %iota3A, %lt3A_358 : vector<16xi32>
      %and3A_360 = arith.andi %ge3A_355, %lt3A_359 : vector<16xi1>
      %select_n3A_361 = arith.select %and3A_360, %gather3A_335, %select_n3A_135 : vector<16xi1>, vector<16xf32>
      %broadcast_in_dim3A_362 = arith.constant 0.000000e+00 : f32
      %broadcast_in_dim3A_363 = vector.broadcast %broadcast_in_dim3A_362 : f32 to vector<16xf32>
      %scan3A_364 = arith.constant 1 : i32
      %scan3A_365 = arith.constant 0 : i32
      %scan3A_366 = arith.constant 64 : i32
      %scan3A_367 = arith.addi %scan3A_365, %scan3A_366 : i32
      %scan3A_368 = arith.constant 1 : i32
      %scan3A_369 = scf.for %scan3A_482 = %scan3A_365 to %scan3A_367 step %scan3A_368 iter_args(%scan3A_483 = %broadcast_in_dim3A_363) -> (vector<16xf32>)  : i32 {
        %mul3A_484 = arith.constant 16 : i32
        %mul3A_485 = arith.muli %scan3A_482, %mul3A_484 : i32
        %add3A_486 = arith.constant 0 : i32
        %add3A_487 = arith.addi %mul3A_485, %add3A_486 : i32
        %mul3A_488 = arith.constant 16 : i32
        %mul3A_489 = arith.muli %add3A_487, %mul3A_488 : i32
        %get3A = arith.constant 0 : i32
        %get3A_490 = arith.constant 0 : i32
        %get3A_491 = arith.constant 0 : i32
        %get3A_492 = tpu.memref_slice %arg12[%scan3A_364, %get3A_490, %get3A_491] : memref<2x2x16384xf32, #tpu.memory_space<vmem>> -> memref<1x2x16384xf32, #tpu.memory_space<vmem>>
        %get3A_493 = tpu.memref_squeeze %get3A_492 : memref<1x2x16384xf32, #tpu.memory_space<vmem>> -> memref<2x16384xf32, #tpu.memory_space<vmem>>
        %get3A_494 = arith.index_cast %get3A : i32 to index
        %get3A_495 = arith.index_cast %mul3A_489 : i32 to index
        %get3A_496 = tpu.vector_load %get3A_493[%get3A_494, %get3A_495] {strides = array<i32>} : memref<2x16384xf32, #tpu.memory_space<vmem>>, vector<16xf32>,
        %exp3A = math.exp %get3A_496 : vector<16xf32>
        %add3A_497 = arith.addf %scan3A_483, %exp3A : vector<16xf32>
        %mul3A_498 = arith.constant 16 : i32
        %mul3A_499 = arith.muli %scan3A_482, %mul3A_498 : i32
        %add3A_500 = arith.constant 1 : i32
        %add3A_501 = arith.addi %mul3A_499, %add3A_500 : i32
        %mul3A_502 = arith.constant 16 : i32
        %mul3A_503 = arith.muli %add3A_501, %mul3A_502 : i32
        %get3A_504 = arith.constant 0 : i32
        %get3A_505 = arith.constant 0 : i32
        %get3A_506 = arith.constant 0 : i32
        %get3A_507 = tpu.memref_slice %arg12[%scan3A_364, %get3A_505, %get3A_506] : memref<2x2x16384xf32, #tpu.memory_space<vmem>> -> memref<1x2x16384xf32, #tpu.memory_space<vmem>>
        %get3A_508 = tpu.memref_squeeze %get3A_507 : memref<1x2x16384xf32, #tpu.memory_space<vmem>> -> memref<2x16384xf32, #tpu.memory_space<vmem>>
        %get3A_509 = arith.index_cast %get3A_504 : i32 to index
        %get3A_510 = arith.index_cast %mul3A_503 : i32 to index
        %get3A_511 = tpu.vector_load %get3A_508[%get3A_509, %get3A_510] {strides = array<i32>} : memref<2x16384xf32, #tpu.memory_space<vmem>>, vector<16xf32>,
        %exp3A_512 = math.exp %get3A_511 : vector<16xf32>
        %add3A_513 = arith.addf %add3A_497, %exp3A_512 : vector<16xf32>
        %mul3A_514 = arith.constant 16 : i32
        %mul3A_515 = arith.muli %scan3A_482, %mul3A_514 : i32
        %add3A_516 = arith.constant 2 : i32
        %add3A_517 = arith.addi %mul3A_515, %add3A_516 : i32
        %mul3A_518 = arith.constant 16 : i32
        %mul3A_519 = arith.muli %add3A_517, %mul3A_518 : i32
        %get3A_520 = arith.constant 0 : i32
        %get3A_521 = arith.constant 0 : i32
        %get3A_522 = arith.constant 0 : i32
        %get3A_523 = tpu.memref_slice %arg12[%scan3A_364, %get3A_521, %get3A_522] : memref<2x2x16384xf32, #tpu.memory_space<vmem>> -> memref<1x2x16384xf32, #tpu.memory_space<vmem>>
        %get3A_524 = tpu.memref_squeeze %get3A_523 : memref<1x2x16384xf32, #tpu.memory_space<vmem>> -> memref<2x16384xf32, #tpu.memory_space<vmem>>
        %get3A_525 = arith.index_cast %get3A_520 : i32 to index
        %get3A_526 = arith.index_cast %mul3A_519 : i32 to index
        %get3A_527 = tpu.vector_load %get3A_524[%get3A_525, %get3A_526] {strides = array<i32>} : memref<2x16384xf32, #tpu.memory_space<vmem>>, vector<16xf32>,
        %exp3A_528 = math.exp %get3A_527 : vector<16xf32>
        %add3A_529 = arith.addf %add3A_513, %exp3A_528 : vector<16xf32>
        %mul3A_530 = arith.constant 16 : i32
        %mul3A_531 = arith.muli %scan3A_482, %mul3A_530 : i32
        %add3A_532 = arith.constant 3 : i32
        %add3A_533 = arith.addi %mul3A_531, %add3A_532 : i32
        %mul3A_534 = arith.constant 16 : i32
        %mul3A_535 = arith.muli %add3A_533, %mul3A_534 : i32
        %get3A_536 = arith.constant 0 : i32
        %get3A_537 = arith.constant 0 : i32
        %get3A_538 = arith.constant 0 : i32
        %get3A_539 = tpu.memref_slice %arg12[%scan3A_364, %get3A_537, %get3A_538] : memref<2x2x16384xf32, #tpu.memory_space<vmem>> -> memref<1x2x16384xf32, #tpu.memory_space<vmem>>
        %get3A_540 = tpu.memref_squeeze %get3A_539 : memref<1x2x16384xf32, #tpu.memory_space<vmem>> -> memref<2x16384xf32, #tpu.memory_space<vmem>>
        %get3A_541 = arith.index_cast %get3A_536 : i32 to index
        %get3A_542 = arith.index_cast %mul3A_535 : i32 to index
        %get3A_543 = tpu.vector_load %get3A_540[%get3A_541, %get3A_542] {strides = array<i32>} : memref<2x16384xf32, #tpu.memory_space<vmem>>, vector<16xf32>,
        %exp3A_544 = math.exp %get3A_543 : vector<16xf32>
        %add3A_545 = arith.addf %add3A_529, %exp3A_544 : vector<16xf32>
        %mul3A_546 = arith.constant 16 : i32
        %mul3A_547 = arith.muli %scan3A_482, %mul3A_546 : i32
        %add3A_548 = arith.constant 4 : i32
        %add3A_549 = arith.addi %mul3A_547, %add3A_548 : i32
        %mul3A_550 = arith.constant 16 : i32
        %mul3A_551 = arith.muli %add3A_549, %mul3A_550 : i32
        %get3A_552 = arith.constant 0 : i32
        %get3A_553 = arith.constant 0 : i32
        %get3A_554 = arith.constant 0 : i32
        %get3A_555 = tpu.memref_slice %arg12[%scan3A_364, %get3A_553, %get3A_554] : memref<2x2x16384xf32, #tpu.memory_space<vmem>> -> memref<1x2x16384xf32, #tpu.memory_space<vmem>>
        %get3A_556 = tpu.memref_squeeze %get3A_555 : memref<1x2x16384xf32, #tpu.memory_space<vmem>> -> memref<2x16384xf32, #tpu.memory_space<vmem>>
        %get3A_557 = arith.index_cast %get3A_552 : i32 to index
        %get3A_558 = arith.index_cast %mul3A_551 : i32 to index
        %get3A_559 = tpu.vector_load %get3A_556[%get3A_557, %get3A_558] {strides = array<i32>} : memref<2x16384xf32, #tpu.memory_space<vmem>>, vector<16xf32>,
        %exp3A_560 = math.exp %get3A_559 : vector<16xf32>
        %add3A_561 = arith.addf %add3A_545, %exp3A_560 : vector<16xf32>
        %mul3A_562 = arith.constant 16 : i32
        %mul3A_563 = arith.muli %scan3A_482, %mul3A_562 : i32
        %add3A_564 = arith.constant 5 : i32
        %add3A_565 = arith.addi %mul3A_563, %add3A_564 : i32
        %mul3A_566 = arith.constant 16 : i32
        %mul3A_567 = arith.muli %add3A_565, %mul3A_566 : i32
        %get3A_568 = arith.constant 0 : i32
        %get3A_569 = arith.constant 0 : i32
        %get3A_570 = arith.constant 0 : i32
        %get3A_571 = tpu.memref_slice %arg12[%scan3A_364, %get3A_569, %get3A_570] : memref<2x2x16384xf32, #tpu.memory_space<vmem>> -> memref<1x2x16384xf32, #tpu.memory_space<vmem>>
        %get3A_572 = tpu.memref_squeeze %get3A_571 : memref<1x2x16384xf32, #tpu.memory_space<vmem>> -> memref<2x16384xf32, #tpu.memory_space<vmem>>
        %get3A_573 = arith.index_cast %get3A_568 : i32 to index
        %get3A_574 = arith.index_cast %mul3A_567 : i32 to index
        %get3A_575 = tpu.vector_load %get3A_572[%get3A_573, %get3A_574] {strides = array<i32>} : memref<2x16384xf32, #tpu.memory_space<vmem>>, vector<16xf32>,
        %exp3A_576 = math.exp %get3A_575 : vector<16xf32>
        %add3A_577 = arith.addf %add3A_561, %exp3A_576 : vector<16xf32>
        %mul3A_578 = arith.constant 16 : i32
        %mul3A_579 = arith.muli %scan3A_482, %mul3A_578 : i32
        %add3A_580 = arith.constant 6 : i32
        %add3A_581 = arith.addi %mul3A_579, %add3A_580 : i32
        %mul3A_582 = arith.constant 16 : i32
        %mul3A_583 = arith.muli %add3A_581, %mul3A_582 : i32
        %get3A_584 = arith.constant 0 : i32
        %get3A_585 = arith.constant 0 : i32
        %get3A_586 = arith.constant 0 : i32
        %get3A_587 = tpu.memref_slice %arg12[%scan3A_364, %get3A_585, %get3A_586] : memref<2x2x16384xf32, #tpu.memory_space<vmem>> -> memref<1x2x16384xf32, #tpu.memory_space<vmem>>
        %get3A_588 = tpu.memref_squeeze %get3A_587 : memref<1x2x16384xf32, #tpu.memory_space<vmem>> -> memref<2x16384xf32, #tpu.memory_space<vmem>>
        %get3A_589 = arith.index_cast %get3A_584 : i32 to index
        %get3A_590 = arith.index_cast %mul3A_583 : i32 to index
        %get3A_591 = tpu.vector_load %get3A_588[%get3A_589, %get3A_590] {strides = array<i32>} : memref<2x16384xf32, #tpu.memory_space<vmem>>, vector<16xf32>,
        %exp3A_592 = math.exp %get3A_591 : vector<16xf32>
        %add3A_593 = arith.addf %add3A_577, %exp3A_592 : vector<16xf32>
        %mul3A_594 = arith.constant 16 : i32
        %mul3A_595 = arith.muli %scan3A_482, %mul3A_594 : i32
        %add3A_596 = arith.constant 7 : i32
        %add3A_597 = arith.addi %mul3A_595, %add3A_596 : i32
        %mul3A_598 = arith.constant 16 : i32
        %mul3A_599 = arith.muli %add3A_597, %mul3A_598 : i32
        %get3A_600 = arith.constant 0 : i32
        %get3A_601 = arith.constant 0 : i32
        %get3A_602 = arith.constant 0 : i32
        %get3A_603 = tpu.memref_slice %arg12[%scan3A_364, %get3A_601, %get3A_602] : memref<2x2x16384xf32, #tpu.memory_space<vmem>> -> memref<1x2x16384xf32, #tpu.memory_space<vmem>>
        %get3A_604 = tpu.memref_squeeze %get3A_603 : memref<1x2x16384xf32, #tpu.memory_space<vmem>> -> memref<2x16384xf32, #tpu.memory_space<vmem>>
        %get3A_605 = arith.index_cast %get3A_600 : i32 to index
        %get3A_606 = arith.index_cast %mul3A_599 : i32 to index
        %get3A_607 = tpu.vector_load %get3A_604[%get3A_605, %get3A_606] {strides = array<i32>} : memref<2x16384xf32, #tpu.memory_space<vmem>>, vector<16xf32>,
        %exp3A_608 = math.exp %get3A_607 : vector<16xf32>
        %add3A_609 = arith.addf %add3A_593, %exp3A_608 : vector<16xf32>
        %mul3A_610 = arith.constant 16 : i32
        %mul3A_611 = arith.muli %scan3A_482, %mul3A_610 : i32
        %add3A_612 = arith.constant 8 : i32
        %add3A_613 = arith.addi %mul3A_611, %add3A_612 : i32
        %mul3A_614 = arith.constant 16 : i32
        %mul3A_615 = arith.muli %add3A_613, %mul3A_614 : i32
        %get3A_616 = arith.constant 0 : i32
        %get3A_617 = arith.constant 0 : i32
        %get3A_618 = arith.constant 0 : i32
        %get3A_619 = tpu.memref_slice %arg12[%scan3A_364, %get3A_617, %get3A_618] : memref<2x2x16384xf32, #tpu.memory_space<vmem>> -> memref<1x2x16384xf32, #tpu.memory_space<vmem>>
        %get3A_620 = tpu.memref_squeeze %get3A_619 : memref<1x2x16384xf32, #tpu.memory_space<vmem>> -> memref<2x16384xf32, #tpu.memory_space<vmem>>
        %get3A_621 = arith.index_cast %get3A_616 : i32 to index
        %get3A_622 = arith.index_cast %mul3A_615 : i32 to index
        %get3A_623 = tpu.vector_load %get3A_620[%get3A_621, %get3A_622] {strides = array<i32>} : memref<2x16384xf32, #tpu.memory_space<vmem>>, vector<16xf32>,
        %exp3A_624 = math.exp %get3A_623 : vector<16xf32>
        %add3A_625 = arith.addf %add3A_609, %exp3A_624 : vector<16xf32>
        %mul3A_626 = arith.constant 16 : i32
        %mul3A_627 = arith.muli %scan3A_482, %mul3A_626 : i32
        %add3A_628 = arith.constant 9 : i32
        %add3A_629 = arith.addi %mul3A_627, %add3A_628 : i32
        %mul3A_630 = arith.constant 16 : i32
        %mul3A_631 = arith.muli %add3A_629, %mul3A_630 : i32
        %get3A_632 = arith.constant 0 : i32
        %get3A_633 = arith.constant 0 : i32
        %get3A_634 = arith.constant 0 : i32
        %get3A_635 = tpu.memref_slice %arg12[%scan3A_364, %get3A_633, %get3A_634] : memref<2x2x16384xf32, #tpu.memory_space<vmem>> -> memref<1x2x16384xf32, #tpu.memory_space<vmem>>
        %get3A_636 = tpu.memref_squeeze %get3A_635 : memref<1x2x16384xf32, #tpu.memory_space<vmem>> -> memref<2x16384xf32, #tpu.memory_space<vmem>>
        %get3A_637 = arith.index_cast %get3A_632 : i32 to index
        %get3A_638 = arith.index_cast %mul3A_631 : i32 to index
        %get3A_639 = tpu.vector_load %get3A_636[%get3A_637, %get3A_638] {strides = array<i32>} : memref<2x16384xf32, #tpu.memory_space<vmem>>, vector<16xf32>,
        %exp3A_640 = math.exp %get3A_639 : vector<16xf32>
        %add3A_641 = arith.addf %add3A_625, %exp3A_640 : vector<16xf32>
        %mul3A_642 = arith.constant 16 : i32
        %mul3A_643 = arith.muli %scan3A_482, %mul3A_642 : i32
        %add3A_644 = arith.constant 10 : i32
        %add3A_645 = arith.addi %mul3A_643, %add3A_644 : i32
        %mul3A_646 = arith.constant 16 : i32
        %mul3A_647 = arith.muli %add3A_645, %mul3A_646 : i32
        %get3A_648 = arith.constant 0 : i32
        %get3A_649 = arith.constant 0 : i32
        %get3A_650 = arith.constant 0 : i32
        %get3A_651 = tpu.memref_slice %arg12[%scan3A_364, %get3A_649, %get3A_650] : memref<2x2x16384xf32, #tpu.memory_space<vmem>> -> memref<1x2x16384xf32, #tpu.memory_space<vmem>>
        %get3A_652 = tpu.memref_squeeze %get3A_651 : memref<1x2x16384xf32, #tpu.memory_space<vmem>> -> memref<2x16384xf32, #tpu.memory_space<vmem>>
        %get3A_653 = arith.index_cast %get3A_648 : i32 to index
        %get3A_654 = arith.index_cast %mul3A_647 : i32 to index
        %get3A_655 = tpu.vector_load %get3A_652[%get3A_653, %get3A_654] {strides = array<i32>} : memref<2x16384xf32, #tpu.memory_space<vmem>>, vector<16xf32>,
        %exp3A_656 = math.exp %get3A_655 : vector<16xf32>
        %add3A_657 = arith.addf %add3A_641, %exp3A_656 : vector<16xf32>
        %mul3A_658 = arith.constant 16 : i32
        %mul3A_659 = arith.muli %scan3A_482, %mul3A_658 : i32
        %add3A_660 = arith.constant 11 : i32
        %add3A_661 = arith.addi %mul3A_659, %add3A_660 : i32
        %mul3A_662 = arith.constant 16 : i32
        %mul3A_663 = arith.muli %add3A_661, %mul3A_662 : i32
        %get3A_664 = arith.constant 0 : i32
        %get3A_665 = arith.constant 0 : i32
        %get3A_666 = arith.constant 0 : i32
        %get3A_667 = tpu.memref_slice %arg12[%scan3A_364, %get3A_665, %get3A_666] : memref<2x2x16384xf32, #tpu.memory_space<vmem>> -> memref<1x2x16384xf32, #tpu.memory_space<vmem>>
        %get3A_668 = tpu.memref_squeeze %get3A_667 : memref<1x2x16384xf32, #tpu.memory_space<vmem>> -> memref<2x16384xf32, #tpu.memory_space<vmem>>
        %get3A_669 = arith.index_cast %get3A_664 : i32 to index
        %get3A_670 = arith.index_cast %mul3A_663 : i32 to index
        %get3A_671 = tpu.vector_load %get3A_668[%get3A_669, %get3A_670] {strides = array<i32>} : memref<2x16384xf32, #tpu.memory_space<vmem>>, vector<16xf32>,
        %exp3A_672 = math.exp %get3A_671 : vector<16xf32>
        %add3A_673 = arith.addf %add3A_657, %exp3A_672 : vector<16xf32>
        %mul3A_674 = arith.constant 16 : i32
        %mul3A_675 = arith.muli %scan3A_482, %mul3A_674 : i32
        %add3A_676 = arith.constant 12 : i32
        %add3A_677 = arith.addi %mul3A_675, %add3A_676 : i32
        %mul3A_678 = arith.constant 16 : i32
        %mul3A_679 = arith.muli %add3A_677, %mul3A_678 : i32
        %get3A_680 = arith.constant 0 : i32
        %get3A_681 = arith.constant 0 : i32
        %get3A_682 = arith.constant 0 : i32
        %get3A_683 = tpu.memref_slice %arg12[%scan3A_364, %get3A_681, %get3A_682] : memref<2x2x16384xf32, #tpu.memory_space<vmem>> -> memref<1x2x16384xf32, #tpu.memory_space<vmem>>
        %get3A_684 = tpu.memref_squeeze %get3A_683 : memref<1x2x16384xf32, #tpu.memory_space<vmem>> -> memref<2x16384xf32, #tpu.memory_space<vmem>>
        %get3A_685 = arith.index_cast %get3A_680 : i32 to index
        %get3A_686 = arith.index_cast %mul3A_679 : i32 to index
        %get3A_687 = tpu.vector_load %get3A_684[%get3A_685, %get3A_686] {strides = array<i32>} : memref<2x16384xf32, #tpu.memory_space<vmem>>, vector<16xf32>,
        %exp3A_688 = math.exp %get3A_687 : vector<16xf32>
        %add3A_689 = arith.addf %add3A_673, %exp3A_688 : vector<16xf32>
        %mul3A_690 = arith.constant 16 : i32
        %mul3A_691 = arith.muli %scan3A_482, %mul3A_690 : i32
        %add3A_692 = arith.constant 13 : i32
        %add3A_693 = arith.addi %mul3A_691, %add3A_692 : i32
        %mul3A_694 = arith.constant 16 : i32
        %mul3A_695 = arith.muli %add3A_693, %mul3A_694 : i32
        %get3A_696 = arith.constant 0 : i32
        %get3A_697 = arith.constant 0 : i32
        %get3A_698 = arith.constant 0 : i32
        %get3A_699 = tpu.memref_slice %arg12[%scan3A_364, %get3A_697, %get3A_698] : memref<2x2x16384xf32, #tpu.memory_space<vmem>> -> memref<1x2x16384xf32, #tpu.memory_space<vmem>>
        %get3A_700 = tpu.memref_squeeze %get3A_699 : memref<1x2x16384xf32, #tpu.memory_space<vmem>> -> memref<2x16384xf32, #tpu.memory_space<vmem>>
        %get3A_701 = arith.index_cast %get3A_696 : i32 to index
        %get3A_702 = arith.index_cast %mul3A_695 : i32 to index
        %get3A_703 = tpu.vector_load %get3A_700[%get3A_701, %get3A_702] {strides = array<i32>} : memref<2x16384xf32, #tpu.memory_space<vmem>>, vector<16xf32>,
        %exp3A_704 = math.exp %get3A_703 : vector<16xf32>
        %add3A_705 = arith.addf %add3A_689, %exp3A_704 : vector<16xf32>
        %mul3A_706 = arith.constant 16 : i32
        %mul3A_707 = arith.muli %scan3A_482, %mul3A_706 : i32
        %add3A_708 = arith.constant 14 : i32
        %add3A_709 = arith.addi %mul3A_707, %add3A_708 : i32
        %mul3A_710 = arith.constant 16 : i32
        %mul3A_711 = arith.muli %add3A_709, %mul3A_710 : i32
        %get3A_712 = arith.constant 0 : i32
        %get3A_713 = arith.constant 0 : i32
        %get3A_714 = arith.constant 0 : i32
        %get3A_715 = tpu.memref_slice %arg12[%scan3A_364, %get3A_713, %get3A_714] : memref<2x2x16384xf32, #tpu.memory_space<vmem>> -> memref<1x2x16384xf32, #tpu.memory_space<vmem>>
        %get3A_716 = tpu.memref_squeeze %get3A_715 : memref<1x2x16384xf32, #tpu.memory_space<vmem>> -> memref<2x16384xf32, #tpu.memory_space<vmem>>
        %get3A_717 = arith.index_cast %get3A_712 : i32 to index
        %get3A_718 = arith.index_cast %mul3A_711 : i32 to index
        %get3A_719 = tpu.vector_load %get3A_716[%get3A_717, %get3A_718] {strides = array<i32>} : memref<2x16384xf32, #tpu.memory_space<vmem>>, vector<16xf32>,
        %exp3A_720 = math.exp %get3A_719 : vector<16xf32>
        %add3A_721 = arith.addf %add3A_705, %exp3A_720 : vector<16xf32>
        %mul3A_722 = arith.constant 16 : i32
        %mul3A_723 = arith.muli %scan3A_482, %mul3A_722 : i32
        %add3A_724 = arith.constant 15 : i32
        %add3A_725 = arith.addi %mul3A_723, %add3A_724 : i32
        %mul3A_726 = arith.constant 16 : i32
        %mul3A_727 = arith.muli %add3A_725, %mul3A_726 : i32
        %get3A_728 = arith.constant 0 : i32
        %get3A_729 = arith.constant 0 : i32
        %get3A_730 = arith.constant 0 : i32
        %get3A_731 = tpu.memref_slice %arg12[%scan3A_364, %get3A_729, %get3A_730] : memref<2x2x16384xf32, #tpu.memory_space<vmem>> -> memref<1x2x16384xf32, #tpu.memory_space<vmem>>
        %get3A_732 = tpu.memref_squeeze %get3A_731 : memref<1x2x16384xf32, #tpu.memory_space<vmem>> -> memref<2x16384xf32, #tpu.memory_space<vmem>>
        %get3A_733 = arith.index_cast %get3A_728 : i32 to index
        %get3A_734 = arith.index_cast %mul3A_727 : i32 to index
        %get3A_735 = tpu.vector_load %get3A_732[%get3A_733, %get3A_734] {strides = array<i32>} : memref<2x16384xf32, #tpu.memory_space<vmem>>, vector<16xf32>,
        %exp3A_736 = math.exp %get3A_735 : vector<16xf32>
        %add3A_737 = arith.addf %add3A_721, %exp3A_736 : vector<16xf32>
        scf.yield %add3A_737 : vector<16xf32>
      }
      %scan3A_370 = arith.constant 64 : i32
      %reduce_sum3A_371 = arith.constant true
      %reduce_sum3A_372 = vector.broadcast %reduce_sum3A_371 : i1 to vector<16xi1>
      %reduce_sum3A_373 = tpu.scan <sum>, %scan3A_369 masked %reduce_sum3A_372 : vector<16xf32>, vector<16xi1> -> vector<16xf32>
      %reduce_sum3A_374 = vector.extract %reduce_sum3A_373[15] : f32 from vector<16xf32>
      %mul3A_375 = arith.constant 2 : i32
      %mul3A_376 = arith.muli %add3A_256, %mul3A_375 : i32
      %add3A_377 = arith.constant 0 : i32
      %add3A_378 = arith.addi %mul3A_376, %add3A_377 : i32
      %jit3A_379 = arith.constant 16 : i32
      %eq3A_380 = arith.constant 0 : i32
      %eq3A_381 = arith.cmpi eq, %jit3A_379, %eq3A_380 : i32
      %jit3A_382 = arith.constant 1 : i32
      %select_n3A_383 = arith.select %eq3A_381, %jit3A_382, %jit3A_379 : i32
      %rem3A_384 = arith.remsi %add3A_378, %select_n3A_383 : i32
      %ne3A_385 = arith.constant 0 : i32
      %ne3A_386 = arith.cmpi ne, %rem3A_384, %ne3A_385 : i32
      %lt3A_387 = arith.constant 0 : i32
      %lt3A_388 = arith.cmpi slt, %rem3A_384, %lt3A_387 : i32
      %lt3A_389 = arith.constant 0 : i32
      %lt3A_390 = arith.cmpi slt, %select_n3A_383, %lt3A_389 : i32
      %ne3A_391 = arith.xori %lt3A_388, %lt3A_390 : i1
      %and3A_392 = arith.andi %ne3A_391, %ne3A_386 : i1
      %add3A_393 = arith.addi %rem3A_384, %select_n3A_383 : i32
      %select_n3A_394 = arith.select %and3A_392, %add3A_393, %rem3A_384 : i32
      %eq3A_395 = vector.broadcast %select_n3A_394 : i32 to vector<16xi32>
      %eq3A_396 = arith.cmpi eq, %iota3A, %eq3A_395 : vector<16xi32>
      %broadcast_in_dim3A_397 = vector.broadcast %reduce_sum3A_374 : f32 to vector<16xf32>
      %select_n3A_398 = arith.select %eq3A_396, %broadcast_in_dim3A_397, %select_n3A_208 : vector<16xi1>, vector<16xf32>
      %broadcast_in_dim3A_399 = arith.constant 0.000000e+00 : f32
      %broadcast_in_dim3A_400 = vector.broadcast %broadcast_in_dim3A_399 : f32 to vector<16xf32>
      %scan3A_401 = arith.constant 1 : i32
      %scan3A_402 = arith.constant 0 : i32
      %scan3A_403 = arith.constant 64 : i32
      %scan3A_404 = arith.addi %scan3A_402, %scan3A_403 : i32
      %scan3A_405 = arith.constant 1 : i32
      %scan3A_406 = scf.for %scan3A_482 = %scan3A_402 to %scan3A_404 step %scan3A_405 iter_args(%scan3A_483 = %broadcast_in_dim3A_400) -> (vector<16xf32>)  : i32 {
        %mul3A_484 = arith.constant 16 : i32
        %mul3A_485 = arith.muli %scan3A_482, %mul3A_484 : i32
        %add3A_486 = arith.constant 0 : i32
        %add3A_487 = arith.addi %mul3A_485, %add3A_486 : i32
        %mul3A_488 = arith.constant 16 : i32
        %mul3A_489 = arith.muli %add3A_487, %mul3A_488 : i32
        %get3A = arith.constant 1 : i32
        %get3A_490 = arith.constant 0 : i32
        %get3A_491 = arith.constant 0 : i32
        %get3A_492 = tpu.memref_slice %arg12[%scan3A_401, %get3A_490, %get3A_491] : memref<2x2x16384xf32, #tpu.memory_space<vmem>> -> memref<1x2x16384xf32, #tpu.memory_space<vmem>>
        %get3A_493 = tpu.memref_squeeze %get3A_492 : memref<1x2x16384xf32, #tpu.memory_space<vmem>> -> memref<2x16384xf32, #tpu.memory_space<vmem>>
        %get3A_494 = arith.index_cast %get3A : i32 to index
        %get3A_495 = arith.index_cast %mul3A_489 : i32 to index
        %get3A_496 = tpu.vector_load %get3A_493[%get3A_494, %get3A_495] {strides = array<i32>} : memref<2x16384xf32, #tpu.memory_space<vmem>>, vector<16xf32>,
        %exp3A = math.exp %get3A_496 : vector<16xf32>
        %add3A_497 = arith.addf %scan3A_483, %exp3A : vector<16xf32>
        %mul3A_498 = arith.constant 16 : i32
        %mul3A_499 = arith.muli %scan3A_482, %mul3A_498 : i32
        %add3A_500 = arith.constant 1 : i32
        %add3A_501 = arith.addi %mul3A_499, %add3A_500 : i32
        %mul3A_502 = arith.constant 16 : i32
        %mul3A_503 = arith.muli %add3A_501, %mul3A_502 : i32
        %get3A_504 = arith.constant 1 : i32
        %get3A_505 = arith.constant 0 : i32
        %get3A_506 = arith.constant 0 : i32
        %get3A_507 = tpu.memref_slice %arg12[%scan3A_401, %get3A_505, %get3A_506] : memref<2x2x16384xf32, #tpu.memory_space<vmem>> -> memref<1x2x16384xf32, #tpu.memory_space<vmem>>
        %get3A_508 = tpu.memref_squeeze %get3A_507 : memref<1x2x16384xf32, #tpu.memory_space<vmem>> -> memref<2x16384xf32, #tpu.memory_space<vmem>>
        %get3A_509 = arith.index_cast %get3A_504 : i32 to index
        %get3A_510 = arith.index_cast %mul3A_503 : i32 to index
        %get3A_511 = tpu.vector_load %get3A_508[%get3A_509, %get3A_510] {strides = array<i32>} : memref<2x16384xf32, #tpu.memory_space<vmem>>, vector<16xf32>,
        %exp3A_512 = math.exp %get3A_511 : vector<16xf32>
        %add3A_513 = arith.addf %add3A_497, %exp3A_512 : vector<16xf32>
        %mul3A_514 = arith.constant 16 : i32
        %mul3A_515 = arith.muli %scan3A_482, %mul3A_514 : i32
        %add3A_516 = arith.constant 2 : i32
        %add3A_517 = arith.addi %mul3A_515, %add3A_516 : i32
        %mul3A_518 = arith.constant 16 : i32
        %mul3A_519 = arith.muli %add3A_517, %mul3A_518 : i32
        %get3A_520 = arith.constant 1 : i32
        %get3A_521 = arith.constant 0 : i32
        %get3A_522 = arith.constant 0 : i32
        %get3A_523 = tpu.memref_slice %arg12[%scan3A_401, %get3A_521, %get3A_522] : memref<2x2x16384xf32, #tpu.memory_space<vmem>> -> memref<1x2x16384xf32, #tpu.memory_space<vmem>>
        %get3A_524 = tpu.memref_squeeze %get3A_523 : memref<1x2x16384xf32, #tpu.memory_space<vmem>> -> memref<2x16384xf32, #tpu.memory_space<vmem>>
        %get3A_525 = arith.index_cast %get3A_520 : i32 to index
        %get3A_526 = arith.index_cast %mul3A_519 : i32 to index
        %get3A_527 = tpu.vector_load %get3A_524[%get3A_525, %get3A_526] {strides = array<i32>} : memref<2x16384xf32, #tpu.memory_space<vmem>>, vector<16xf32>,
        %exp3A_528 = math.exp %get3A_527 : vector<16xf32>
        %add3A_529 = arith.addf %add3A_513, %exp3A_528 : vector<16xf32>
        %mul3A_530 = arith.constant 16 : i32
        %mul3A_531 = arith.muli %scan3A_482, %mul3A_530 : i32
        %add3A_532 = arith.constant 3 : i32
        %add3A_533 = arith.addi %mul3A_531, %add3A_532 : i32
        %mul3A_534 = arith.constant 16 : i32
        %mul3A_535 = arith.muli %add3A_533, %mul3A_534 : i32
        %get3A_536 = arith.constant 1 : i32
        %get3A_537 = arith.constant 0 : i32
        %get3A_538 = arith.constant 0 : i32
        %get3A_539 = tpu.memref_slice %arg12[%scan3A_401, %get3A_537, %get3A_538] : memref<2x2x16384xf32, #tpu.memory_space<vmem>> -> memref<1x2x16384xf32, #tpu.memory_space<vmem>>
        %get3A_540 = tpu.memref_squeeze %get3A_539 : memref<1x2x16384xf32, #tpu.memory_space<vmem>> -> memref<2x16384xf32, #tpu.memory_space<vmem>>
        %get3A_541 = arith.index_cast %get3A_536 : i32 to index
        %get3A_542 = arith.index_cast %mul3A_535 : i32 to index
        %get3A_543 = tpu.vector_load %get3A_540[%get3A_541, %get3A_542] {strides = array<i32>} : memref<2x16384xf32, #tpu.memory_space<vmem>>, vector<16xf32>,
        %exp3A_544 = math.exp %get3A_543 : vector<16xf32>
        %add3A_545 = arith.addf %add3A_529, %exp3A_544 : vector<16xf32>
        %mul3A_546 = arith.constant 16 : i32
        %mul3A_547 = arith.muli %scan3A_482, %mul3A_546 : i32
        %add3A_548 = arith.constant 4 : i32
        %add3A_549 = arith.addi %mul3A_547, %add3A_548 : i32
        %mul3A_550 = arith.constant 16 : i32
        %mul3A_551 = arith.muli %add3A_549, %mul3A_550 : i32
        %get3A_552 = arith.constant 1 : i32
        %get3A_553 = arith.constant 0 : i32
        %get3A_554 = arith.constant 0 : i32
        %get3A_555 = tpu.memref_slice %arg12[%scan3A_401, %get3A_553, %get3A_554] : memref<2x2x16384xf32, #tpu.memory_space<vmem>> -> memref<1x2x16384xf32, #tpu.memory_space<vmem>>
        %get3A_556 = tpu.memref_squeeze %get3A_555 : memref<1x2x16384xf32, #tpu.memory_space<vmem>> -> memref<2x16384xf32, #tpu.memory_space<vmem>>
        %get3A_557 = arith.index_cast %get3A_552 : i32 to index
        %get3A_558 = arith.index_cast %mul3A_551 : i32 to index
        %get3A_559 = tpu.vector_load %get3A_556[%get3A_557, %get3A_558] {strides = array<i32>} : memref<2x16384xf32, #tpu.memory_space<vmem>>, vector<16xf32>,
        %exp3A_560 = math.exp %get3A_559 : vector<16xf32>
        %add3A_561 = arith.addf %add3A_545, %exp3A_560 : vector<16xf32>
        %mul3A_562 = arith.constant 16 : i32
        %mul3A_563 = arith.muli %scan3A_482, %mul3A_562 : i32
        %add3A_564 = arith.constant 5 : i32
        %add3A_565 = arith.addi %mul3A_563, %add3A_564 : i32
        %mul3A_566 = arith.constant 16 : i32
        %mul3A_567 = arith.muli %add3A_565, %mul3A_566 : i32
        %get3A_568 = arith.constant 1 : i32
        %get3A_569 = arith.constant 0 : i32
        %get3A_570 = arith.constant 0 : i32
        %get3A_571 = tpu.memref_slice %arg12[%scan3A_401, %get3A_569, %get3A_570] : memref<2x2x16384xf32, #tpu.memory_space<vmem>> -> memref<1x2x16384xf32, #tpu.memory_space<vmem>>
        %get3A_572 = tpu.memref_squeeze %get3A_571 : memref<1x2x16384xf32, #tpu.memory_space<vmem>> -> memref<2x16384xf32, #tpu.memory_space<vmem>>
        %get3A_573 = arith.index_cast %get3A_568 : i32 to index
        %get3A_574 = arith.index_cast %mul3A_567 : i32 to index
        %get3A_575 = tpu.vector_load %get3A_572[%get3A_573, %get3A_574] {strides = array<i32>} : memref<2x16384xf32, #tpu.memory_space<vmem>>, vector<16xf32>,
        %exp3A_576 = math.exp %get3A_575 : vector<16xf32>
        %add3A_577 = arith.addf %add3A_561, %exp3A_576 : vector<16xf32>
        %mul3A_578 = arith.constant 16 : i32
        %mul3A_579 = arith.muli %scan3A_482, %mul3A_578 : i32
        %add3A_580 = arith.constant 6 : i32
        %add3A_581 = arith.addi %mul3A_579, %add3A_580 : i32
        %mul3A_582 = arith.constant 16 : i32
        %mul3A_583 = arith.muli %add3A_581, %mul3A_582 : i32
        %get3A_584 = arith.constant 1 : i32
        %get3A_585 = arith.constant 0 : i32
        %get3A_586 = arith.constant 0 : i32
        %get3A_587 = tpu.memref_slice %arg12[%scan3A_401, %get3A_585, %get3A_586] : memref<2x2x16384xf32, #tpu.memory_space<vmem>> -> memref<1x2x16384xf32, #tpu.memory_space<vmem>>
        %get3A_588 = tpu.memref_squeeze %get3A_587 : memref<1x2x16384xf32, #tpu.memory_space<vmem>> -> memref<2x16384xf32, #tpu.memory_space<vmem>>
        %get3A_589 = arith.index_cast %get3A_584 : i32 to index
        %get3A_590 = arith.index_cast %mul3A_583 : i32 to index
        %get3A_591 = tpu.vector_load %get3A_588[%get3A_589, %get3A_590] {strides = array<i32>} : memref<2x16384xf32, #tpu.memory_space<vmem>>, vector<16xf32>,
        %exp3A_592 = math.exp %get3A_591 : vector<16xf32>
        %add3A_593 = arith.addf %add3A_577, %exp3A_592 : vector<16xf32>
        %mul3A_594 = arith.constant 16 : i32
        %mul3A_595 = arith.muli %scan3A_482, %mul3A_594 : i32
        %add3A_596 = arith.constant 7 : i32
        %add3A_597 = arith.addi %mul3A_595, %add3A_596 : i32
        %mul3A_598 = arith.constant 16 : i32
        %mul3A_599 = arith.muli %add3A_597, %mul3A_598 : i32
        %get3A_600 = arith.constant 1 : i32
        %get3A_601 = arith.constant 0 : i32
        %get3A_602 = arith.constant 0 : i32
        %get3A_603 = tpu.memref_slice %arg12[%scan3A_401, %get3A_601, %get3A_602] : memref<2x2x16384xf32, #tpu.memory_space<vmem>> -> memref<1x2x16384xf32, #tpu.memory_space<vmem>>
        %get3A_604 = tpu.memref_squeeze %get3A_603 : memref<1x2x16384xf32, #tpu.memory_space<vmem>> -> memref<2x16384xf32, #tpu.memory_space<vmem>>
        %get3A_605 = arith.index_cast %get3A_600 : i32 to index
        %get3A_606 = arith.index_cast %mul3A_599 : i32 to index
        %get3A_607 = tpu.vector_load %get3A_604[%get3A_605, %get3A_606] {strides = array<i32>} : memref<2x16384xf32, #tpu.memory_space<vmem>>, vector<16xf32>,
        %exp3A_608 = math.exp %get3A_607 : vector<16xf32>
        %add3A_609 = arith.addf %add3A_593, %exp3A_608 : vector<16xf32>
        %mul3A_610 = arith.constant 16 : i32
        %mul3A_611 = arith.muli %scan3A_482, %mul3A_610 : i32
        %add3A_612 = arith.constant 8 : i32
        %add3A_613 = arith.addi %mul3A_611, %add3A_612 : i32
        %mul3A_614 = arith.constant 16 : i32
        %mul3A_615 = arith.muli %add3A_613, %mul3A_614 : i32
        %get3A_616 = arith.constant 1 : i32
        %get3A_617 = arith.constant 0 : i32
        %get3A_618 = arith.constant 0 : i32
        %get3A_619 = tpu.memref_slice %arg12[%scan3A_401, %get3A_617, %get3A_618] : memref<2x2x16384xf32, #tpu.memory_space<vmem>> -> memref<1x2x16384xf32, #tpu.memory_space<vmem>>
        %get3A_620 = tpu.memref_squeeze %get3A_619 : memref<1x2x16384xf32, #tpu.memory_space<vmem>> -> memref<2x16384xf32, #tpu.memory_space<vmem>>
        %get3A_621 = arith.index_cast %get3A_616 : i32 to index
        %get3A_622 = arith.index_cast %mul3A_615 : i32 to index
        %get3A_623 = tpu.vector_load %get3A_620[%get3A_621, %get3A_622] {strides = array<i32>} : memref<2x16384xf32, #tpu.memory_space<vmem>>, vector<16xf32>,
        %exp3A_624 = math.exp %get3A_623 : vector<16xf32>
        %add3A_625 = arith.addf %add3A_609, %exp3A_624 : vector<16xf32>
        %mul3A_626 = arith.constant 16 : i32
        %mul3A_627 = arith.muli %scan3A_482, %mul3A_626 : i32
        %add3A_628 = arith.constant 9 : i32
        %add3A_629 = arith.addi %mul3A_627, %add3A_628 : i32
        %mul3A_630 = arith.constant 16 : i32
        %mul3A_631 = arith.muli %add3A_629, %mul3A_630 : i32
        %get3A_632 = arith.constant 1 : i32
        %get3A_633 = arith.constant 0 : i32
        %get3A_634 = arith.constant 0 : i32
        %get3A_635 = tpu.memref_slice %arg12[%scan3A_401, %get3A_633, %get3A_634] : memref<2x2x16384xf32, #tpu.memory_space<vmem>> -> memref<1x2x16384xf32, #tpu.memory_space<vmem>>
        %get3A_636 = tpu.memref_squeeze %get3A_635 : memref<1x2x16384xf32, #tpu.memory_space<vmem>> -> memref<2x16384xf32, #tpu.memory_space<vmem>>
        %get3A_637 = arith.index_cast %get3A_632 : i32 to index
        %get3A_638 = arith.index_cast %mul3A_631 : i32 to index
        %get3A_639 = tpu.vector_load %get3A_636[%get3A_637, %get3A_638] {strides = array<i32>} : memref<2x16384xf32, #tpu.memory_space<vmem>>, vector<16xf32>,
        %exp3A_640 = math.exp %get3A_639 : vector<16xf32>
        %add3A_641 = arith.addf %add3A_625, %exp3A_640 : vector<16xf32>
        %mul3A_642 = arith.constant 16 : i32
        %mul3A_643 = arith.muli %scan3A_482, %mul3A_642 : i32
        %add3A_644 = arith.constant 10 : i32
        %add3A_645 = arith.addi %mul3A_643, %add3A_644 : i32
        %mul3A_646 = arith.constant 16 : i32
        %mul3A_647 = arith.muli %add3A_645, %mul3A_646 : i32
        %get3A_648 = arith.constant 1 : i32
        %get3A_649 = arith.constant 0 : i32
        %get3A_650 = arith.constant 0 : i32
        %get3A_651 = tpu.memref_slice %arg12[%scan3A_401, %get3A_649, %get3A_650] : memref<2x2x16384xf32, #tpu.memory_space<vmem>> -> memref<1x2x16384xf32, #tpu.memory_space<vmem>>
        %get3A_652 = tpu.memref_squeeze %get3A_651 : memref<1x2x16384xf32, #tpu.memory_space<vmem>> -> memref<2x16384xf32, #tpu.memory_space<vmem>>
        %get3A_653 = arith.index_cast %get3A_648 : i32 to index
        %get3A_654 = arith.index_cast %mul3A_647 : i32 to index
        %get3A_655 = tpu.vector_load %get3A_652[%get3A_653, %get3A_654] {strides = array<i32>} : memref<2x16384xf32, #tpu.memory_space<vmem>>, vector<16xf32>,
        %exp3A_656 = math.exp %get3A_655 : vector<16xf32>
        %add3A_657 = arith.addf %add3A_641, %exp3A_656 : vector<16xf32>
        %mul3A_658 = arith.constant 16 : i32
        %mul3A_659 = arith.muli %scan3A_482, %mul3A_658 : i32
        %add3A_660 = arith.constant 11 : i32
        %add3A_661 = arith.addi %mul3A_659, %add3A_660 : i32
        %mul3A_662 = arith.constant 16 : i32
        %mul3A_663 = arith.muli %add3A_661, %mul3A_662 : i32
        %get3A_664 = arith.constant 1 : i32
        %get3A_665 = arith.constant 0 : i32
        %get3A_666 = arith.constant 0 : i32
        %get3A_667 = tpu.memref_slice %arg12[%scan3A_401, %get3A_665, %get3A_666] : memref<2x2x16384xf32, #tpu.memory_space<vmem>> -> memref<1x2x16384xf32, #tpu.memory_space<vmem>>
        %get3A_668 = tpu.memref_squeeze %get3A_667 : memref<1x2x16384xf32, #tpu.memory_space<vmem>> -> memref<2x16384xf32, #tpu.memory_space<vmem>>
        %get3A_669 = arith.index_cast %get3A_664 : i32 to index
        %get3A_670 = arith.index_cast %mul3A_663 : i32 to index
        %get3A_671 = tpu.vector_load %get3A_668[%get3A_669, %get3A_670] {strides = array<i32>} : memref<2x16384xf32, #tpu.memory_space<vmem>>, vector<16xf32>,
        %exp3A_672 = math.exp %get3A_671 : vector<16xf32>
        %add3A_673 = arith.addf %add3A_657, %exp3A_672 : vector<16xf32>
        %mul3A_674 = arith.constant 16 : i32
        %mul3A_675 = arith.muli %scan3A_482, %mul3A_674 : i32
        %add3A_676 = arith.constant 12 : i32
        %add3A_677 = arith.addi %mul3A_675, %add3A_676 : i32
        %mul3A_678 = arith.constant 16 : i32
        %mul3A_679 = arith.muli %add3A_677, %mul3A_678 : i32
        %get3A_680 = arith.constant 1 : i32
        %get3A_681 = arith.constant 0 : i32
        %get3A_682 = arith.constant 0 : i32
        %get3A_683 = tpu.memref_slice %arg12[%scan3A_401, %get3A_681, %get3A_682] : memref<2x2x16384xf32, #tpu.memory_space<vmem>> -> memref<1x2x16384xf32, #tpu.memory_space<vmem>>
        %get3A_684 = tpu.memref_squeeze %get3A_683 : memref<1x2x16384xf32, #tpu.memory_space<vmem>> -> memref<2x16384xf32, #tpu.memory_space<vmem>>
        %get3A_685 = arith.index_cast %get3A_680 : i32 to index
        %get3A_686 = arith.index_cast %mul3A_679 : i32 to index
        %get3A_687 = tpu.vector_load %get3A_684[%get3A_685, %get3A_686] {strides = array<i32>} : memref<2x16384xf32, #tpu.memory_space<vmem>>, vector<16xf32>,
        %exp3A_688 = math.exp %get3A_687 : vector<16xf32>
        %add3A_689 = arith.addf %add3A_673, %exp3A_688 : vector<16xf32>
        %mul3A_690 = arith.constant 16 : i32
        %mul3A_691 = arith.muli %scan3A_482, %mul3A_690 : i32
        %add3A_692 = arith.constant 13 : i32
        %add3A_693 = arith.addi %mul3A_691, %add3A_692 : i32
        %mul3A_694 = arith.constant 16 : i32
        %mul3A_695 = arith.muli %add3A_693, %mul3A_694 : i32
        %get3A_696 = arith.constant 1 : i32
        %get3A_697 = arith.constant 0 : i32
        %get3A_698 = arith.constant 0 : i32
        %get3A_699 = tpu.memref_slice %arg12[%scan3A_401, %get3A_697, %get3A_698] : memref<2x2x16384xf32, #tpu.memory_space<vmem>> -> memref<1x2x16384xf32, #tpu.memory_space<vmem>>
        %get3A_700 = tpu.memref_squeeze %get3A_699 : memref<1x2x16384xf32, #tpu.memory_space<vmem>> -> memref<2x16384xf32, #tpu.memory_space<vmem>>
        %get3A_701 = arith.index_cast %get3A_696 : i32 to index
        %get3A_702 = arith.index_cast %mul3A_695 : i32 to index
        %get3A_703 = tpu.vector_load %get3A_700[%get3A_701, %get3A_702] {strides = array<i32>} : memref<2x16384xf32, #tpu.memory_space<vmem>>, vector<16xf32>,
        %exp3A_704 = math.exp %get3A_703 : vector<16xf32>
        %add3A_705 = arith.addf %add3A_689, %exp3A_704 : vector<16xf32>
        %mul3A_706 = arith.constant 16 : i32
        %mul3A_707 = arith.muli %scan3A_482, %mul3A_706 : i32
        %add3A_708 = arith.constant 14 : i32
        %add3A_709 = arith.addi %mul3A_707, %add3A_708 : i32
        %mul3A_710 = arith.constant 16 : i32
        %mul3A_711 = arith.muli %add3A_709, %mul3A_710 : i32
        %get3A_712 = arith.constant 1 : i32
        %get3A_713 = arith.constant 0 : i32
        %get3A_714 = arith.constant 0 : i32
        %get3A_715 = tpu.memref_slice %arg12[%scan3A_401, %get3A_713, %get3A_714] : memref<2x2x16384xf32, #tpu.memory_space<vmem>> -> memref<1x2x16384xf32, #tpu.memory_space<vmem>>
        %get3A_716 = tpu.memref_squeeze %get3A_715 : memref<1x2x16384xf32, #tpu.memory_space<vmem>> -> memref<2x16384xf32, #tpu.memory_space<vmem>>
        %get3A_717 = arith.index_cast %get3A_712 : i32 to index
        %get3A_718 = arith.index_cast %mul3A_711 : i32 to index
        %get3A_719 = tpu.vector_load %get3A_716[%get3A_717, %get3A_718] {strides = array<i32>} : memref<2x16384xf32, #tpu.memory_space<vmem>>, vector<16xf32>,
        %exp3A_720 = math.exp %get3A_719 : vector<16xf32>
        %add3A_721 = arith.addf %add3A_705, %exp3A_720 : vector<16xf32>
        %mul3A_722 = arith.constant 16 : i32
        %mul3A_723 = arith.muli %scan3A_482, %mul3A_722 : i32
        %add3A_724 = arith.constant 15 : i32
        %add3A_725 = arith.addi %mul3A_723, %add3A_724 : i32
        %mul3A_726 = arith.constant 16 : i32
        %mul3A_727 = arith.muli %add3A_725, %mul3A_726 : i32
        %get3A_728 = arith.constant 1 : i32
        %get3A_729 = arith.constant 0 : i32
        %get3A_730 = arith.constant 0 : i32
        %get3A_731 = tpu.memref_slice %arg12[%scan3A_401, %get3A_729, %get3A_730] : memref<2x2x16384xf32, #tpu.memory_space<vmem>> -> memref<1x2x16384xf32, #tpu.memory_space<vmem>>
        %get3A_732 = tpu.memref_squeeze %get3A_731 : memref<1x2x16384xf32, #tpu.memory_space<vmem>> -> memref<2x16384xf32, #tpu.memory_space<vmem>>
        %get3A_733 = arith.index_cast %get3A_728 : i32 to index
        %get3A_734 = arith.index_cast %mul3A_727 : i32 to index
        %get3A_735 = tpu.vector_load %get3A_732[%get3A_733, %get3A_734] {strides = array<i32>} : memref<2x16384xf32, #tpu.memory_space<vmem>>, vector<16xf32>,
        %exp3A_736 = math.exp %get3A_735 : vector<16xf32>
        %add3A_737 = arith.addf %add3A_721, %exp3A_736 : vector<16xf32>
        scf.yield %add3A_737 : vector<16xf32>
      }
      %scan3A_407 = arith.constant 64 : i32
      %reduce_sum3A_408 = arith.constant true
      %reduce_sum3A_409 = vector.broadcast %reduce_sum3A_408 : i1 to vector<16xi1>
      %reduce_sum3A_410 = tpu.scan <sum>, %scan3A_406 masked %reduce_sum3A_409 : vector<16xf32>, vector<16xi1> -> vector<16xf32>
      %reduce_sum3A_411 = vector.extract %reduce_sum3A_410[15] : f32 from vector<16xf32>
      %mul3A_412 = arith.constant 2 : i32
      %mul3A_413 = arith.muli %add3A_256, %mul3A_412 : i32
      %add3A_414 = arith.constant 1 : i32
      %add3A_415 = arith.addi %mul3A_413, %add3A_414 : i32
      %jit3A_416 = arith.constant 16 : i32
      %eq3A_417 = arith.constant 0 : i32
      %eq3A_418 = arith.cmpi eq, %jit3A_416, %eq3A_417 : i32
      %jit3A_419 = arith.constant 1 : i32
      %select_n3A_420 = arith.select %eq3A_418, %jit3A_419, %jit3A_416 : i32
      %rem3A_421 = arith.remsi %add3A_415, %select_n3A_420 : i32
      %ne3A_422 = arith.constant 0 : i32
      %ne3A_423 = arith.cmpi ne, %rem3A_421, %ne3A_422 : i32
      %lt3A_424 = arith.constant 0 : i32
      %lt3A_425 = arith.cmpi slt, %rem3A_421, %lt3A_424 : i32
      %lt3A_426 = arith.constant 0 : i32
      %lt3A_427 = arith.cmpi slt, %select_n3A_420, %lt3A_426 : i32
      %ne3A_428 = arith.xori %lt3A_425, %lt3A_427 : i1
      %and3A_429 = arith.andi %ne3A_428, %ne3A_423 : i1
      %add3A_430 = arith.addi %rem3A_421, %select_n3A_420 : i32
      %select_n3A_431 = arith.select %and3A_429, %add3A_430, %rem3A_421 : i32
      %eq3A_432 = vector.broadcast %select_n3A_431 : i32 to vector<16xi32>
      %eq3A_433 = arith.cmpi eq, %iota3A, %eq3A_432 : vector<16xi32>
      %broadcast_in_dim3A_434 = vector.broadcast %reduce_sum3A_411 : f32 to vector<16xf32>
      %select_n3A_435 = arith.select %eq3A_433, %broadcast_in_dim3A_434, %select_n3A_398 : vector<16xi1>, vector<16xf32>
      %mul3A_436 = arith.constant 2 : i32
      %mul3A_437 = arith.muli %add3A_256, %mul3A_436 : i32
      %jit3A_438 = arith.constant 16 : i32
      %eq3A_439 = arith.constant 0 : i32
      %eq3A_440 = arith.cmpi eq, %jit3A_438, %eq3A_439 : i32
      %jit3A_441 = arith.constant 1 : i32
      %select_n3A_442 = arith.select %eq3A_440, %jit3A_441, %jit3A_438 : i32
      %rem3A_443 = arith.remsi %mul3A_437, %select_n3A_442 : i32
      %ne3A_444 = arith.constant 0 : i32
      %ne3A_445 = arith.cmpi ne, %rem3A_443, %ne3A_444 : i32
      %lt3A_446 = arith.constant 0 : i32
      %lt3A_447 = arith.cmpi slt, %rem3A_443, %lt3A_446 : i32
      %lt3A_448 = arith.constant 0 : i32
      %lt3A_449 = arith.cmpi slt, %select_n3A_442, %lt3A_448 : i32
      %ne3A_450 = arith.xori %lt3A_447, %lt3A_449 : i1
      %and3A_451 = arith.andi %ne3A_450, %ne3A_445 : i1
      %add3A_452 = arith.addi %rem3A_443, %select_n3A_442 : i32
      %select_n3A_453 = arith.select %and3A_451, %add3A_452, %rem3A_443 : i32
      %eq3A_454 = arith.constant 14 : i32
      %eq3A_455 = arith.cmpi eq, %select_n3A_453, %eq3A_454 : i32
      %convert_element_type3A_456 = arith.extui %eq3A_455 : i1 to i32
      %cond3A_457 = arith.constant 0 : i32
      %cond3A_458 = arith.cmpi ne, %convert_element_type3A_456, %cond3A_457 : i32
      scf.if %cond3A_458 {
        %mul3A_482 = arith.constant 2 : i32
        %mul3A_483 = arith.muli %add3A_256, %mul3A_482 : i32
        %jit3A_484 = arith.constant 16 : i32
        %div3A = arith.divsi %mul3A_483, %jit3A_484 : i32
        %sign3A = arith.constant 0 : i32
        %sign3A_485 = arith.cmpi sgt, %mul3A_483, %sign3A : i32
        %sign3A_486 = arith.extui %sign3A_485 : i1 to i32
        %sign3A_487 = arith.constant 0 : i32
        %sign3A_488 = arith.cmpi slt, %mul3A_483, %sign3A_487 : i32
        %sign3A_489 = arith.extui %sign3A_488 : i1 to i32
        %sign3A_490 = arith.subi %sign3A_486, %sign3A_489 : i32
        %sign3A_491 = arith.constant 0 : i32
        %sign3A_492 = arith.cmpi sgt, %jit3A_484, %sign3A_491 : i32
        %sign3A_493 = arith.extui %sign3A_492 : i1 to i32
        %sign3A_494 = arith.constant 0 : i32
        %sign3A_495 = arith.cmpi slt, %jit3A_484, %sign3A_494 : i32
        %sign3A_496 = arith.extui %sign3A_495 : i1 to i32
        %sign3A_497 = arith.subi %sign3A_493, %sign3A_496 : i32
        %ne3A_498 = arith.cmpi ne, %sign3A_490, %sign3A_497 : i32
        %rem3A_499 = arith.remsi %mul3A_483, %jit3A_484 : i32
        %ne3A_500 = arith.constant 0 : i32
        %ne3A_501 = arith.cmpi ne, %rem3A_499, %ne3A_500 : i32
        %and3A_502 = arith.andi %ne3A_498, %ne3A_501 : i1
        %sub3A = arith.constant 1 : i32
        %sub3A_503 = arith.subi %div3A, %sub3A : i32
        %select_n3A_504 = arith.select %and3A_502, %sub3A_503, %div3A : i32
        %mul3A_505 = arith.constant 16 : i32
        %mul3A_506 = arith.muli %select_n3A_504, %mul3A_505 : i32
        %swap3A = arith.index_cast %mul3A_506 : i32 to index
        %swap3A_507 = tpu.vector_load %arg10[%swap3A] {strides = array<i32>} : memref<256xf32, #tpu.memory_space<vmem>>, vector<16xf32>,
        tpu.vector_store %arg10[%swap3A], %select_n3A_435 {strides = array<i32>} : memref<256xf32, #tpu.memory_space<vmem>>, vector<16xf32>,
        %swap3A_508 = arith.index_cast %mul3A_506 : i32 to index
        %swap3A_509 = tpu.vector_load %arg11[%swap3A_508] {strides = array<i32>} : memref<256xf32, #tpu.memory_space<vmem>>, vector<16xf32>,
        tpu.vector_store %arg11[%swap3A_508], %select_n3A_361 {strides = array<i32>} : memref<256xf32, #tpu.memory_space<vmem>>, vector<16xf32>,
      } else {
      }
      %mul3A_459 = arith.constant 2 : i32
      %mul3A_460 = arith.muli %add3A_256, %mul3A_459 : i32
      %add3A_461 = arith.addi %mul3A_2, %mul3A_460 : i32
      %dma_wait3A_462 = arith.constant 1 : i32
      %dma_wait3A_463 = arith.constant 0 : i32
      %dma_wait3A_464 = arith.constant 0 : i32
      %dma_wait3A_465 = tpu.memref_slice %arg12[%dma_wait3A_462, %dma_wait3A_463, %dma_wait3A_464] : memref<2x2x16384xf32, #tpu.memory_space<vmem>> -> memref<1x2x16384xf32, #tpu.memory_space<vmem>>
      %dma_wait3A_466 = tpu.memref_squeeze %dma_wait3A_465 : memref<1x2x16384xf32, #tpu.memory_space<vmem>> -> memref<2x16384xf32, #tpu.memory_space<vmem>>
      %dma_wait3A_467 = arith.constant 0 : i32
      %dma_wait3A_468 = tpu.memref_slice %arg5[%add3A_461, %dma_wait3A_467] : memref<8192x16384xf32, #tpu.memory_space<hbm>> -> memref<2x16384xf32, #tpu.memory_space<hbm>>
      %dma_wait3A_469 = arith.constant 0 : i32
      %dma_wait3A_470 = tpu.memref_slice %arg5[%add3A_461, %dma_wait3A_469] : memref<8192x16384xf32, #tpu.memory_space<hbm>> -> memref<2x16384xf32, #tpu.memory_space<hbm>>
      %dma_wait3A_471 = arith.constant 0 : i32
      %dma_wait3A_472 = arith.constant 0 : i32
      %dma_wait3A_473 = tpu.memref_slice %arg12[%dma_wait3A_462, %dma_wait3A_471, %dma_wait3A_472] : memref<2x2x16384xf32, #tpu.memory_space<vmem>> -> memref<1x2x16384xf32, #tpu.memory_space<vmem>>
      %dma_wait3A_474 = tpu.memref_squeeze %dma_wait3A_473 : memref<1x2x16384xf32, #tpu.memory_space<vmem>> -> memref<2x16384xf32, #tpu.memory_space<vmem>>
      tpu.wait_dma2 semaphore(%arg16 : memref<!tpu.dma_semaphore, #tpu.memory_space<semaphore_mem>>) src(%dma_wait3A_474 : memref<2x16384xf32, #tpu.memory_space<vmem>>) dst(%dma_wait3A_470 : memref<2x16384xf32, #tpu.memory_space<hbm>>)
      %add3A_475 = arith.constant 2 : i32
      %add3A_476 = arith.addi %add3A_256, %add3A_475 : i32
      %lt3A_477 = arith.constant 128 : i32
      %lt3A_478 = arith.cmpi slt, %add3A_476, %lt3A_477 : i32
      %convert_element_type3A_479 = arith.extui %lt3A_478 : i1 to i32
      %cond3A_480 = arith.constant 0 : i32
      %cond3A_481 = arith.cmpi ne, %convert_element_type3A_479, %cond3A_480 : i32
      scf.if %cond3A_481 {
        %add3A_482 = arith.constant 2 : i32
        %add3A_483 = arith.addi %add3A_256, %add3A_482 : i32
        %dma_start3A_484 = arith.constant 1 : i32
        %dma_start3A_485 = arith.constant 0 : i32
        %dma_start3A_486 = arith.constant 0 : i32
        %dma_start3A_487 = tpu.memref_slice %arg12[%dma_start3A_484, %dma_start3A_485, %dma_start3A_486] : memref<2x2x16384xf32, #tpu.memory_space<vmem>> -> memref<1x2x16384xf32, #tpu.memory_space<vmem>>
        %dma_start3A_488 = tpu.memref_squeeze %dma_start3A_487 : memref<1x2x16384xf32, #tpu.memory_space<vmem>> -> memref<2x16384xf32, #tpu.memory_space<vmem>>
        %dma_start3A_489 = arith.constant 0 : i32
        %dma_start3A_490 = tpu.memref_slice %arg8[%add3A_483, %dma_start3A_489] : memref<128x2xi32, #tpu.memory_space<vmem>> -> memref<1x2xi32, #tpu.memory_space<vmem>>
        %dma_start3A_491 = tpu.memref_squeeze %dma_start3A_490 : memref<1x2xi32, #tpu.memory_space<vmem>> -> memref<2xi32, #tpu.memory_space<vmem>>
        %dma_start3A_492 = arith.constant 0 : i32
        %dma_start3A_493 = arith.constant 0 : i32
        %dma_start3A_494 = tpu.memref_slice %arg4[%dma_start3A_492, %dma_start3A_493] : memref<16384x16384xf32, #tpu.memory_space<hbm>> -> memref<16384x16384xf32, #tpu.memory_space<hbm>>
        tpu.enqueue_indirect_dma source(%dma_start3A_494 : memref<16384x16384xf32, #tpu.memory_space<hbm>>) target(%dma_start3A_488 : memref<2x16384xf32, #tpu.memory_space<vmem>>) offsets(%dma_start3A_491 : memref<2xi32, #tpu.memory_space<vmem>>) semaphore(%arg14 : memref<!tpu.dma_semaphore, #tpu.memory_space<semaphore_mem>>)
      } else {
      }
      scf.yield %select_n3A_435, %select_n3A_361 : vector<16xf32>, vector<16xf32>
    }
    %scan3A_33 = arith.constant 64 : i32
    "tpu.region"() ({
      %run_scoped3A = tpu.sem_alloc : memref<!tpu.dma_semaphore, #tpu.memory_space<semaphore_mem>>
      %dma_start3A_34 = tpu.memref_slice %arg6[%mul3A_2] : memref<8192xf32, #tpu.memory_space<hbm>> -> memref<256xf32, #tpu.memory_space<hbm>>
      %dma_start3A_35 = tpu.memref_slice %arg6[%mul3A_2] : memref<8192xf32, #tpu.memory_space<hbm>> -> memref<256xf32, #tpu.memory_space<hbm>>
      tpu.enqueue_dma source(%arg10 : memref<256xf32, #tpu.memory_space<vmem>>) target(%dma_start3A_35 : memref<256xf32, #tpu.memory_space<hbm>>) target_semaphore(%run_scoped3A : memref<!tpu.dma_semaphore, #tpu.memory_space<semaphore_mem>>)
      %dma_wait3A = tpu.memref_slice %arg6[%mul3A_2] : memref<8192xf32, #tpu.memory_space<hbm>> -> memref<256xf32, #tpu.memory_space<hbm>>
      %dma_wait3A_36 = tpu.memref_slice %arg6[%mul3A_2] : memref<8192xf32, #tpu.memory_space<hbm>> -> memref<256xf32, #tpu.memory_space<hbm>>
      tpu.wait_dma2 semaphore(%run_scoped3A : memref<!tpu.dma_semaphore, #tpu.memory_space<semaphore_mem>>) src(%arg10 : memref<256xf32, #tpu.memory_space<vmem>>) dst(%dma_wait3A_36 : memref<256xf32, #tpu.memory_space<hbm>>)
      tpu.yield
    }) : () -> ()
    "tpu.region"() ({
      %run_scoped3A = tpu.sem_alloc : memref<!tpu.dma_semaphore, #tpu.memory_space<semaphore_mem>>
      %dma_start3A_34 = tpu.memref_slice %arg7[%mul3A_2] : memref<8192xf32, #tpu.memory_space<hbm>> -> memref<256xf32, #tpu.memory_space<hbm>>
      %dma_start3A_35 = tpu.memref_slice %arg7[%mul3A_2] : memref<8192xf32, #tpu.memory_space<hbm>> -> memref<256xf32, #tpu.memory_space<hbm>>
      tpu.enqueue_dma source(%arg11 : memref<256xf32, #tpu.memory_space<vmem>>) target(%dma_start3A_35 : memref<256xf32, #tpu.memory_space<hbm>>) target_semaphore(%run_scoped3A : memref<!tpu.dma_semaphore, #tpu.memory_space<semaphore_mem>>)
      %dma_wait3A = tpu.memref_slice %arg7[%mul3A_2] : memref<8192xf32, #tpu.memory_space<hbm>> -> memref<256xf32, #tpu.memory_space<hbm>>
      %dma_wait3A_36 = tpu.memref_slice %arg7[%mul3A_2] : memref<8192xf32, #tpu.memory_space<hbm>> -> memref<256xf32, #tpu.memory_space<hbm>>
      tpu.wait_dma2 semaphore(%run_scoped3A : memref<!tpu.dma_semaphore, #tpu.memory_space<semaphore_mem>>) src(%arg11 : memref<256xf32, #tpu.memory_space<vmem>>) dst(%dma_wait3A_36 : memref<256xf32, #tpu.memory_space<hbm>>)
      tpu.yield
    }) : () -> ()
    return
  }
}

</mosaic_0001>

<sc_bundles>
// kernel: _sc_gather.3.cloned.1.call-start
scs
__scs_entry_jumppad:
0x0: {  	(pc) =	sbr.rel $0x88, $3  }
0x1: {  	(tag) =	ssettag $0x0;
	lr =	simm.s32 $0x1  }
0x2: {  	[smem:$0x3F9E] =	sst lr;
	_ =	strace $0xD0000000  }
0x3: {  	_ = 	snop  }
0x4: {  	_ = 	snop  }
0x5: {  	_ = 	snop  }
0x6: {  	_ = 	snop  }
0x7: {  	_ = 	snop  }
__scs_overlays_trampoline_lowered:
0x8: {  	[smem:$0x3FAD] =	sst s0  }
0x9: {  	[smem:$0x3FAE] =	sst s1  }
0xa: {  	[smem:$0x3FAF] =	sst s2  }
0xb: {  	[smem:$0x3FB0] =	sst s3  }
0xc: {  	[smem:$0x3FB1] =	sst s4  }
0xd: {  	[smem:$0x3FB2] =	sst s5  }
0xe: {  	[smem:$0x3FB3] =	sst s6  }
0xf: {  	[smem:$0x3FB4] =	sst s7  }
0x10: {  	[smem:$0x3FB5] =	sst s8  }
0x11: {  	[smem:$0x3FB6] =	sst s9;
	s0 =	simm.s32 @!p0 $0x0  }
0x12: {  	s1 =	sld [smem:$0x3F9C];
	s0 =	simm.s32 @p0 $0x1  }
0x13: {  	[smem:$0x3FB7] =	sst s0;
	s0 =	simm.s32 @!p1 $0x0  }
0x14: {  	s2 =	sld [smem:$0x3F9B];
	s0 =	simm.s32 @p1 $0x1  }
0x15: {  	[smem:$0x3FB8] =	sst s0;
	s0 =	simm.s32 @!p2 $0x0  }
0x16: {  	s3 =	sld [smem:$0x3FDB];
	s0 =	simm.s32 @p2 $0x1  }
0x17: {  	s4 =	simm.s32 $0x1BF5;
	[smem:$0x3FBA] =	sst s0  }
0x18: {  	s0 =	sld [smem:$0x3F9D];
	_ =	swait.ge [sflag:s4], $0x0  }
0x19: {  	s7 =	sld [smem:$0x3F9E]  }
0x1a: {  	s8 =	sadd.s32 $0xFFFFE003, lr  }
0x1b: {  	s9 =	sadd.s32 $0xFFFFFEF7, lr;
	s5 =	simm.s32 $0xFFFFFFFF;
	p2 =	slt.u32 s8, $0xFFFFF086  }
0x1c: {  	p1 =	slt.u32 s9, $0xF7A;
	s5 =	simm.s32 @!p2 $0x0  }
0x1d: {  	s5 =	simm.s32 @p1 $0x1;
	p0 =	seq.s32 s7, s2  }
0x1e: {  	s7 =	smul.u32 @!p0 $0xF7A, s2;
	p2 =	seq.s32 @!p0 s5, $0x0  }
0x1f: {  	s9 =	smul.u32 $0xF7A, s1;
	s8 =	simm.s32 @!p0 $0x1BF5;
	p2 =	por !p2, p0  }
0x20: {  	[sflag:s8] =	ssyncset.s32 @!p0 $0xFFFFF086;
	s6 =	sadd.s32 @!p0 s3, s7;
	s7 =	simm.s32 @!p0 $0x108  }
0x21: {  	s3 =	sadd.s32 s3, s9;
	s6 =	sadd.s32 @!p0 $0x88, s6;
	s7 =	simm.s32 @p2 $0x1082  }
0x22: {  	[simem:s7], [sflag:s8] =	dma.local @!p0 [hbm:s6], $0xF7A  }
0x23: {  	s9 =	sor.u32 $0xD0000000, s2;
	s6 =	simm.s32 $0x108;
	_ =	swait.ge @!p0 [sflag:s8], $0x0  }
0x24: {  	s3 =	sadd.s32 $0x88, s3;
	s6 =	simm.s32 @!p1 $0x1082;
	[sflag:s4] =	ssyncset.s32 $0xFFFFF086  }
0x25: {  	[simem:s6], [sflag:s4] =	dma.local [hbm:s3], $0xF7A  }
0x26: {  	[smem:$0x3F9E] =	sst s1;
	(tag) =	ssettag s2;
	_ =	strace s9  }
0x27: {  	s1 =	sld [smem:$0x3FAE]  }
0x28: {  	s2 =	sld [smem:$0x3FAF]  }
0x29: {  	s4 =	sld [smem:$0x3FB1]  }
0x2a: {  	p0 =	seq.s32 s5, $0x0;
	s5 =	sld [smem:$0x3FB2]  }
0x2b: {  	s6 =	sld [smem:$0x3FB3]  }
0x2c: {  	s7 =	sld [smem:$0x3FB4]  }
0x2d: {  	s3 =	simm.s32 $0x108;
	s8 =	sld [smem:$0x3FB5]  }
0x2e: {  	s3 =	simm.s32 @!p0 $0x1082;
	s9 =	sld [smem:$0x3FB6]  }
0x2f: {  	lr =	sadd.s32 s0, s3;
	s0 =	sld [smem:$0x3FAD]  }
0x30: {  	s3 =	sld [smem:$0x3FB0]  }
0x31: {  	[smem:$0x3FB9] =	sst s10  }
0x32: {  	s10 =	sld [smem:$0x3FB7];
	_ =	sdelay $0x3  }
0x33: {  	p0 =	seq.s32 s10, $0x1;
	s10 =	sld [smem:$0x3FB9];
	_ =	sdelay $0x3  }
0x34: {  	[smem:$0x3FB9] =	sst s10  }
0x35: {  	s10 =	sld [smem:$0x3FB8];
	_ =	sdelay $0x3  }
0x36: {  	p1 =	seq.s32 s10, $0x1;
	s10 =	sld [smem:$0x3FB9];
	_ =	sdelay $0x3  }
0x37: {  	[smem:$0x3FB9] =	sst s10  }
0x38: {  	s10 =	sld [smem:$0x3FBA]  }
0x39: {  	_ = 	snop;
	(pc) =	sbr.ind lr, $3  }
0x3a: {  	_ = 	snop  }
0x3b: {  	_ = 	snop  }
0x3c: {  	p2 =	seq.s32 s10, $0x1;
	s10 =	sld [smem:$0x3FB9]  }
0x3d: {  	_ =	shalt  }
0x3e: {  	_ =	shalt  }
0x3f: {  	_ =	shalt  }
0x40: {  	_ =	shalt  }
0x41: {  	_ =	shalt  }
0x42: {  	_ =	shalt  }
0x43: {  	_ =	shalt  }
0x44: {  	_ =	shalt  }
0x45: {  	_ =	shalt  }
0x46: {  	_ =	shalt  }
0x47: {  	_ =	shalt  }
0x48: {  	_ =	shalt  }
0x49: {  	_ =	shalt  }
0x4a: {  	_ =	shalt  }
0x4b: {  	_ =	shalt  }
0x4c: {  	_ =	shalt  }
0x4d: {  	_ =	shalt  }
0x4e: {  	_ =	shalt  }
0x4f: {  	_ =	shalt  }
0x50: {  	_ =	shalt  }
0x51: {  	_ =	shalt  }
0x52: {  	_ =	shalt  }
0x53: {  	_ =	shalt  }
0x54: {  	_ =	shalt  }
0x55: {  	_ =	shalt  }
0x56: {  	_ =	shalt  }
0x57: {  	_ =	shalt  }
0x58: {  	_ =	shalt  }
0x59: {  	_ =	shalt  }
0x5a: {  	_ =	shalt  }
0x5b: {  	_ =	shalt  }
0x5c: {  	_ =	shalt  }
0x5d: {  	_ =	shalt  }
0x5e: {  	_ =	shalt  }
0x5f: {  	_ =	shalt  }
0x60: {  	_ =	shalt  }
0x61: {  	_ =	shalt  }
0x62: {  	_ =	shalt  }
0x63: {  	_ =	shalt  }
0x64: {  	_ =	shalt  }
0x65: {  	_ =	shalt  }
0x66: {  	_ =	shalt  }
0x67: {  	_ =	shalt  }
0x68: {  	_ =	shalt  }
0x69: {  	_ =	shalt  }
0x6a: {  	_ =	shalt  }
0x6b: {  	_ =	shalt  }
0x6c: {  	_ =	shalt  }
0x6d: {  	_ =	shalt  }
0x6e: {  	_ =	shalt  }
0x6f: {  	_ =	shalt  }
0x70: {  	_ =	shalt  }
0x71: {  	_ =	shalt  }
0x72: {  	_ =	shalt  }
0x73: {  	_ =	shalt  }
0x74: {  	_ =	shalt  }
0x75: {  	_ =	shalt  }
0x76: {  	_ =	shalt  }
0x77: {  	_ =	shalt  }
0x78: {  	_ =	shalt  }
0x79: {  	_ =	shalt  }
0x7a: {  	_ =	shalt  }
0x7b: {  	_ =	shalt  }
0x7c: {  	_ =	shalt  }
0x7d: {  	_ =	shalt  }
0x7e: {  	_ =	shalt  }
0x7f: {  	_ =	shalt  }
0x80: {  	_ =	shalt  }
0x81: {  	_ =	shalt  }
0x82: {  	_ =	shalt  }
0x83: {  	_ =	shalt  }
0x84: {  	_ =	shalt  }
0x85: {  	_ =	shalt  }
0x86: {  	_ =	shalt  }
0x87: {  	_ =	shalt  }
.Lfunc_end0:
.L_simem_size_0:
called_computation_lowered:
.L_overlay_start_0:
0x88: {  	s2 =	sld [smem:$0x3FD9]  }
0x89: {  	s3 =	sld [smem:$0x3FFE];
	_ =	sdelay $0x1  }
0x8a: {  	s1 =	srdreg.scid  }
0x8b: {  	s0 =	sand.u32 $0x1, s1  }
0x8c: {  	s14 =	sshll.u32 s0, $0xA;
	s2 =	sadd.s32 s3, s2  }
0x8d: {  	s2 =	sadd.s32 s2, s14  }
0x8e: {  	[smem:$0x3FC5] =	sst s2  }
0x8f: {  	_ = 	snop  }
0x90: {  	s2 =	sld [smem:$0x3FD0];
	_ =	sdelay $0x1  }
0x91: {  	s15 =	sld [smem:$0x3FC8]  }
0x92: {  	s5 =	simm.s32 $0xA;
	s6 =	simm.s32 $0x10;
	s4 =	sld [smem:$0x3FC7]  }
0x93: {  	[smem:s6], [sflag:s5] =	dma.local [hbm:s2], $0x1  }
0x94: {  	_ =	swait.eq [sflag:s5], $0x1  }
0x95: {  	s16 =	sld [smem:$0x10];
	[sflag:s5] =	ssyncset.done $0x0  }
0x96: {  	s17 =	sld [smem:$0x11];
	[sflag:s5] =	ssyncadd.s32 $0xFFFFFFFF  }
0x97: {  	s18 =	sld [smem:$0x12];
	(tm) =	ssettm $0x1  }
0x98: {  	s7 =	sld [smem:$0x3FFB];
	_ =	sdelay $0x3  }
0x99: {  	_ =	strace s7  }
0x9a: {  	s7 =	sld [smem:$0x3FFC];
	_ =	sdelay $0x3  }
0x9b: {  	_ =	strace s7  }
0x9c: {  	s7 =	sld [smem:$0x3FFD];
	_ =	sdelay $0x3  }
0x9d: {  	_ =	strace s7  }
0x9e: {  	_ =	strace $0x8FFFFFFF  }
0x9f: {  	s19 =	sld [smem:$0x3FDB];
	_ =	sdelay $0x1  }
0xa0: {  	s8 =	simm.s32 $_scs_section_size  }
0xa1: {  	s9 =	simm.s32 $_size__tile_overlayer_lowered;
	s10 =	simm.s32 $_tile_overlayer_lowered  }
0xa2: {  	s22 =	simm.s32 $0x1BFF;
	s21 =	sshll.u32 s10, $0x1;
	s7 =	sadd.s32 s8, s19  }
0xa3: {  	s11 =	simm.s32 $0x0;
	s20 =	sshll.u32 s9, $0x1;
	s9 =	sadd.s32 s21, s7  }
0xa4: {  	[timem:s11], [sflag:s22] =	dma.local [hbm:s9], s20  }
0xa5: {  	_ =	swait.ge [sflag:s22], s20  }
0xa6: {  	s8 =	ssub.s32 $0x0, s20;
	[sflag:s22] =	ssyncset.done $0x0  }
0xa7: {  	[sflag:s22] =	ssyncadd.s32 s8;
	_ =	sdelay $0x1  }
0xa8: {  	s23 =	simm.s32 $0x1B8B  }
0xa9: {  	_ =	swait.ge [sflag:s23], $0x1  }
0xaa: {  	[sflag:s23] =	ssyncset.done $0x0  }
0xab: {  	s25 =	simm.s32 $0x1B8E;
	s24 =	sld [smem:$0x3FFE];
	[sflag:s23] =	ssyncadd.s32 $0xFFFFFFFF  }
0xac: {  	s26 =	simm.s32 $execute0_lowered;
	[smem:$0x3FD2] =	sst s25  }
0xad: {  	s9 =	sshll.u32 s26, $0x1;
	_ =	strace $0x80000046;
	[dreg:$0x1] =	wrdreg $0xFFFFFFFF  }
0xae: {  	s28 =	simm.s32 $_size_execute0_lowered;
	s7 =	sadd.s32 s7, s9;
	[dreg:$0x0] =	wrdreg $0x0  }
0xaf: {  	s9 =	sshll.u32 s28, $0x1;
	[dreg:$0x2] =	wrdreg s7  }
0xb0: {  	[dreg:$0x3] =	wrdreg s9  }
0xb1: {  	[dreg:$0x4] =	wrdreg $0xC0  }
0xb2: {  	_ =	task [dreg:s11], $0x5FFFF  }
0xb3: {  	[dreg:$0x1] =	wrdreg $0xFFFFFFFF  }
0xb4: {  	[dreg:$0x0] =	wrdreg $0x60  }
0xb5: {  	[dreg:$0x2] =	wrdreg s24  }
0xb6: {  	[dreg:$0x3] =	wrdreg s15  }
0xb7: {  	[dreg:$0x4] =	wrdreg s4  }
0xb8: {  	[dreg:$0x5] =	wrdreg s16  }
0xb9: {  	[dreg:$0x6] =	wrdreg s17  }
0xba: {  	[dreg:$0x7] =	wrdreg s18  }
0xbb: {  	[dreg:$0x8] =	wrdreg $0x9  }
0xbc: {  	_ =	task.clear_ibuf [dreg:s11], $0x9FFFF;
	_ =	strace $0x90000046  }
0xbd: {  	s29 =	simm.s32 $0x9;
	_ =	strace $0x80000048  }
0xbe: {  	_ =	swait.ge [sflag:s29], $0x1  }
0xbf: {  	[sflag:s29] =	ssyncadd.s32 $0xFFFFFFFF  }
0xc0: {  	_ =	strace $0x90000048  }
0xc1: {  	_ =	sfence  }
0xc2: {  	s30 =	sld [smem:$0x0];
	_ =	sdelay $0x2  }
0xc3: {  	s31 =	sshll.u32 s1, $0xD;
	s1 =	sshrl.u32 s1, $0x2  }
0xc4: {  	s3 =	sand.u32 $0x4000, s31;
	s1 =	sadd.s32 s1, s30  }
0xc5: {  	s0 =	sor.u32 s3, s0;
	s1 =	sshll.u32 s1, $0x11  }
0xc6: {  	s0 =	sor.u32 s1, s0  }
0xc7: {  	s0 =	sadd.s32 $0x8F2B, s0  }
0xc8: {  	[sflag:s0] =	ssyncadd.remote.s32 $0x1  }
0xc9: {  	_ =	sfence.sel $0xFFFF  }
0xca: {  	[dreg:$0x0] =	wrdreg $0xFFFFFFFF;
	(pc) =	sbr.abs _section_cstart, $3  }
0xcb: {  	[dreg:$0x1] =	wrdreg $0xFFFFFFFF  }
0xcc: {  	_ =	task.clear_ibuf [dreg:s11], $0x2FFFF;
	_ =	strace $0x9FFFFFFF  }
0xcd: {  	(tm) =	ssettm $0x7FFFFFFF  }
tec
execute0_lowered:
.L_overlay_start_1:
0x0: {  	(tag) =	ssettag $0x1  }
0x1: {  	s0 =	rddreg [dreg:$0x0]  }
0x2: {  	s1 =	rddreg [dreg:$0x1]  }
0x3: {  	s24 =	rddreg [dreg:$0x2]  }
0x4: {  	s28 =	rddreg [dreg:$0x3]  }
0x5: {  	s3 =	rddreg [dreg:$0x4]  }
0x6: {  	s2 =	srdreg.scid;
	s5 =	rddreg [dreg:$0x5]  }
0x7: {  	s7 =	stileid.u32;
	s4 =	simm.s32 $0x0;
	s29 =	simm.s32 $0x4300  }
0x8: {  	s30 =	simm.s32 $0x3;
	s31 =	simm.s32 $0x2;
	s2 =	sand.u32 $0x1, s2  }
0x9: {  	[smem:$0x7FF] =	sst s4;
	s8 =	sadd.s32 $0x800, s24;
	s9 =	sadd.s32 $0xC00, s24  }
0xa: {  	s10 =	sadd.s32 $0x1000, s24;
	s11 =	sadd.s32 $0x1400, s24;
	s12 =	sadd.s32 $0x1800, s24  }
0xb: {  	s13 =	sadd.s32 $0x1C00, s24;
	s14 =	sadd.s32 $0x2000, s24;
	s15 =	sadd.s32 $0x2400, s24  }
0xc: {  	s16 =	sadd.s32 $0x2800, s24;
	s17 =	sadd.s32 $0x2C00, s24;
	s18 =	sadd.s32 $0x3000, s24  }
0xd: {  	s19 =	sadd.s32 $0x3400, s24;
	s6 =	sshll.u32 s2, $0x4;
	s2 =	ssub.s32 $0x2, s2  }
0xe: {  	s20 =	sadd.s32 $0x3800, s24;
	s6 =	sor.u32 s7, s6;
	s21 =	sshrl.u32 s2, $0x1  }
0xf: {  	_ =	strace $0x80000047;
	s7 =	sshll.u32 s6, $0xB;
	s2 =	ssub.s32 s2, s21  }
0x10: {  	s22 =	sshll.u32 s6, $0x5;
	s25 =	sshll.u32 s6, $0x13;
	s0 =	sadd.s32 s7, s0  }
0x11: {  	s1 =	sadd.s32 s1, s22;
	s7 =	sadd.s32 $0x400, s24;
	[dreg:$0xb] =	wrdreg s25  }
.Ltmp0:
0x12: {  	v0 =	vlaneseq.u32;
	s23 =	sadd.s32 s3, s22;
	[dreg:$0x8] =	wrdreg s1;
	(pc) =	sbr.rel .LBB2_1-.Ltmp0, $4  }
0x13: {  	v1 =	vand.u32 $0x1, v0;
	s26 =	smax.u32 s2, $0x1;
	s2 =	simm.s32 $0x4;
	[dreg:$0x9] =	wrdreg s23  }
0x14: {  	v2 =	vmul.u32 $0x80, v1;
	s3 =	simm.s32 $0x0;
	s0 =	sadd.s32 $0x600, s0;
	[dreg:$0xc] =	wrdreg s26  }
0x15: {  	vm0 =	vmmov $0xffff;
	v3 =	vshrl.u32 v0, $0x1;
	s23 =	sadd.s32 $0x3C00, s24;
	[dreg:$0x7] =	wrdreg s0;
	s0 =	sadd.s32 s5, s22  }
0x16: {  	v4 =	vadd.s32 $0x1, v0;
	v3 =	vmul.u32 $0x8, v3;
	v5 =	vor.u32 $0x8000, v2;
	s1 =	simm.s32 $0x5;
	s22 =	simm.s32 $0x1;
	[dreg:$0xa] =	wrdreg s0  }
.LBB2_12:
0x17: {  	s0 =	rddreg [dreg:$0x9];
	s1 =	simm.s32 $0x4100  }
0x18: {  	[hbm4b:s0+s4] =	stream.linear.scatter [tilespmem:s1], [sflag:$0x5], $0x100, $0x38;
	[tilespmem:$0x14300] =	vst v63  }
0x19: {  	s1 =	simm.s32 $0x5  }
0x1a: {  	_ =	swait.ge [sflag:s1], $0x100  }
0x1b: {  	[sflag:s1] =	ssyncset.done $0x0  }
0x1c: {  	s3 =	simm.s32 $0x4200;
	s21 =	rddreg [dreg:$0xa];
	[sflag:s1] =	ssyncadd.s32 $0xFFFFFF00  }
0x1d: {  	[hbm4b:s21+s4] =	stream.linear.scatter [tilespmem:s3], [sflag:$0x5], $0x100, $0x38;
	[tilespmem:$0x14300] =	vst v63  }
0x1e: {  	_ =	swait.ge [sflag:s1], $0x100  }
0x1f: {  	s24 =	rddreg [dreg:$0xd]  }
0x20: {  	s26 =	rddreg [dreg:$0xc];
	s3 =	sadd.s32 $0x1, s24  }
0x21: {  	p0 =	sne.s32 s3, s26  }
.Ltmp1:
0x22: {  	_ = 	snop;
	(pc) =	sbr.rel @!p0 .LBB2_13-.Ltmp1, $3  }
0x23: {  	_ =	sdelay $0x1  }
0x24: {  	[sflag:s1] =	ssyncset.done $0x0  }
0x25: {  	[sflag:s1] =	ssyncadd.s32 $0xFFFFFF00;
	s24 =	smov.u32 s25  }
.LBB2_1:
0x26: {  	[dreg:$0xd] =	wrdreg s3  }
0x27: {  	s0 =	rddreg [dreg:$0x7]  }
0x28: {  	[tilespmem:s4], [sflag:$0x5] =	stream.linear.gather [hbm4b:s0+s4], $0x4000, $0x38;
	[tilespmem:$0x14300] =	vst v63  }
0x29: {  	_ =	swait.ge [sflag:s1], $0x4000  }
0x2a: {  	[sflag:s1] =	ssyncset.done $0x0  }
0x2b: {  	s6 =	simm.s32 $0x4000;
	s5 =	rddreg [dreg:$0x8];
	[sflag:s1] =	ssyncadd.s32 $0xFFFFC000  }
0x2c: {  	[tilespmem:s6], [sflag:$0x5] =	stream.linear.gather [hbm4b:s5+s4], $0x100, $0x38;
	[tilespmem:$0x14300] =	vst v63  }
0x2d: {  	_ =	swait.ge [sflag:s1], $0x100  }
0x2e: {  	[sflag:s1] =	ssyncset.done $0x0  }
0x2f: {  	[sflag:s1] =	ssyncadd.s32 $0xFFFFFF00  }
0x30: {  	v6 =	vld.msk [tilespmem:$0x0], $0x3;
	_ =	sdelay $0x4  }
0x31: {  	v7 =	vshll.u32 v6, $0x7  }
0x32: {  	v6 =	vand.u32 $0x7, v6;
	v7 =	vand.u32 $0xFFFFFC00, v7  }
0x33: {  	v6 =	vor.u32 v6, v7  }
0x34: {  	v6 =	vperm.xlane v6, v1;
	_ =	sdelay $0x1  }
0x35: {  	v6 =	vadd.s32 v3, v6;
	_ =	sdelay $0x4  }
0x36: {  	[tilespmem:s29], [sflag:$0x1] =	stream.indirect_vreg.gather [hbm4b:s24+s4], $0x80, v6, vm0, $0xb8;
	[tilespmem:$0x14300] =	vst v63  }
0x37: {  	s21 =	simm.s32 $0x4B00  }
0x38: {  	[tilespmem:s21], [sflag:$0x1] =	stream.indirect_vreg.gather [hbm4b:s7+s4], $0x80, v6, vm0, $0xb8;
	[tilespmem:$0x14300] =	vst v63  }
0x39: {  	s25 =	simm.s32 $0x5300  }
0x3a: {  	[tilespmem:s25], [sflag:$0x1] =	stream.indirect_vreg.gather [hbm4b:s8+s4], $0x80, v6, vm0, $0xb8;
	[tilespmem:$0x14300] =	vst v63  }
0x3b: {  	s26 =	simm.s32 $0x5B00  }
0x3c: {  	[tilespmem:s26], [sflag:$0x1] =	stream.indirect_vreg.gather [hbm4b:s9+s4], $0x80, v6, vm0, $0xb8;
	[tilespmem:$0x14300] =	vst v63  }
0x3d: {  	s1 =	simm.s32 $0x6300  }
0x3e: {  	[tilespmem:s1], [sflag:$0x1] =	stream.indirect_vreg.gather [hbm4b:s10+s4], $0x80, v6, vm0, $0xb8;
	[tilespmem:$0x14300] =	vst v63  }
0x3f: {  	s3 =	simm.s32 $0x6B00  }
0x40: {  	[tilespmem:s3], [sflag:$0x1] =	stream.indirect_vreg.gather [hbm4b:s11+s4], $0x80, v6, vm0, $0xb8;
	[tilespmem:$0x14300] =	vst v63  }
0x41: {  	s5 =	simm.s32 $0x7300  }
0x42: {  	[tilespmem:s5], [sflag:$0x1] =	stream.indirect_vreg.gather [hbm4b:s12+s4], $0x80, v6, vm0, $0xb8;
	[tilespmem:$0x14300] =	vst v63  }
0x43: {  	s6 =	simm.s32 $0x7B00  }
0x44: {  	[tilespmem:s6], [sflag:$0x1] =	stream.indirect_vreg.gather [hbm4b:s13+s4], $0x80, v6, vm0, $0xb8;
	[tilespmem:$0x14300] =	vst v63  }
0x45: {  	s21 =	simm.s32 $0x8300  }
0x46: {  	[tilespmem:s21], [sflag:$0x1] =	stream.indirect_vreg.gather [hbm4b:s14+s4], $0x80, v6, vm0, $0xb8;
	[tilespmem:$0x14300] =	vst v63  }
0x47: {  	s25 =	simm.s32 $0x8B00  }
0x48: {  	[tilespmem:s25], [sflag:$0x1] =	stream.indirect_vreg.gather [hbm4b:s15+s4], $0x80, v6, vm0, $0xb8;
	[tilespmem:$0x14300] =	vst v63  }
0x49: {  	s26 =	simm.s32 $0x9300  }
0x4a: {  	[tilespmem:s26], [sflag:$0x1] =	stream.indirect_vreg.gather [hbm4b:s16+s4], $0x80, v6, vm0, $0xb8;
	[tilespmem:$0x14300] =	vst v63  }
0x4b: {  	s1 =	simm.s32 $0x9B00  }
0x4c: {  	[tilespmem:s1], [sflag:$0x1] =	stream.indirect_vreg.gather [hbm4b:s17+s4], $0x80, v6, vm0, $0xb8;
	[tilespmem:$0x14300] =	vst v63  }
0x4d: {  	s3 =	simm.s32 $0xA300  }
0x4e: {  	[tilespmem:s3], [sflag:$0x1] =	stream.indirect_vreg.gather [hbm4b:s18+s4], $0x80, v6, vm0, $0xb8;
	[tilespmem:$0x14300] =	vst v63  }
0x4f: {  	s5 =	simm.s32 $0xAB00  }
0x50: {  	[tilespmem:s5], [sflag:$0x1] =	stream.indirect_vreg.gather [hbm4b:s19+s4], $0x80, v6, vm0, $0xb8;
	[tilespmem:$0x14300] =	vst v63  }
0x51: {  	s6 =	simm.s32 $0xB300  }
0x52: {  	[tilespmem:s6], [sflag:$0x1] =	stream.indirect_vreg.gather [hbm4b:s20+s4], $0x80, v6, vm0, $0xb8;
	[tilespmem:$0x14300] =	vst v63  }
0x53: {  	s21 =	simm.s32 $0xBB00  }
0x54: {  	[tilespmem:s21], [sflag:$0x1] =	stream.indirect_vreg.gather [hbm4b:s23+s4], $0x80, v6, vm0, $0xb8;
	[tilespmem:$0x14300] =	vst v63  }
0x55: {  	v6 =	vld.msk [tilespmem:$0x80], $0x3;
	_ =	sdelay $0x4  }
0x56: {  	v7 =	vshll.u32 v6, $0x7  }
0x57: {  	v6 =	vand.u32 $0x7, v6;
	v7 =	vand.u32 $0xFFFFFC00, v7  }
0x58: {  	v6 =	vor.u32 v6, v7  }
0x59: {  	v6 =	vperm.xlane v6, v1;
	_ =	sdelay $0x1  }
0x5a: {  	v6 =	vadd.s32 v3, v6;
	_ =	sdelay $0x3  }
0x5b: {  	s25 =	simm.s32 $0xC300  }
0x5c: {  	[tilespmem:s25], [sflag:$0x2] =	stream.indirect_vreg.gather [hbm4b:s24+s4], $0x80, v6, vm0, $0xb8;
	[tilespmem:$0x14300] =	vst v63  }
0x5d: {  	s26 =	simm.s32 $0xCB00  }
0x5e: {  	[tilespmem:s26], [sflag:$0x2] =	stream.indirect_vreg.gather [hbm4b:s7+s4], $0x80, v6, vm0, $0xb8;
	[tilespmem:$0x14300] =	vst v63  }
0x5f: {  	s1 =	simm.s32 $0xD300  }
0x60: {  	[tilespmem:s1], [sflag:$0x2] =	stream.indirect_vreg.gather [hbm4b:s8+s4], $0x80, v6, vm0, $0xb8;
	[tilespmem:$0x14300] =	vst v63  }
0x61: {  	s3 =	simm.s32 $0xDB00  }
0x62: {  	[tilespmem:s3], [sflag:$0x2] =	stream.indirect_vreg.gather [hbm4b:s9+s4], $0x80, v6, vm0, $0xb8;
	[tilespmem:$0x14300] =	vst v63  }
0x63: {  	s5 =	simm.s32 $0xE300  }
0x64: {  	[tilespmem:s5], [sflag:$0x2] =	stream.indirect_vreg.gather [hbm4b:s10+s4], $0x80, v6, vm0, $0xb8;
	[tilespmem:$0x14300] =	vst v63  }
0x65: {  	s6 =	simm.s32 $0xEB00  }
0x66: {  	[tilespmem:s6], [sflag:$0x2] =	stream.indirect_vreg.gather [hbm4b:s11+s4], $0x80, v6, vm0, $0xb8;
	[tilespmem:$0x14300] =	vst v63  }
0x67: {  	s21 =	simm.s32 $0xF300  }
0x68: {  	[tilespmem:s21], [sflag:$0x2] =	stream.indirect_vreg.gather [hbm4b:s12+s4], $0x80, v6, vm0, $0xb8;
	[tilespmem:$0x14300] =	vst v63  }
0x69: {  	s25 =	simm.s32 $0xFB00  }
0x6a: {  	[tilespmem:s25], [sflag:$0x2] =	stream.indirect_vreg.gather [hbm4b:s13+s4], $0x80, v6, vm0, $0xb8;
	[tilespmem:$0x14300] =	vst v63  }
0x6b: {  	s26 =	simm.s32 $0x10300  }
0x6c: {  	[tilespmem:s26], [sflag:$0x2] =	stream.indirect_vreg.gather [hbm4b:s14+s4], $0x80, v6, vm0, $0xb8;
	[tilespmem:$0x14300] =	vst v63  }
0x6d: {  	s1 =	simm.s32 $0x10B00  }
0x6e: {  	[tilespmem:s1], [sflag:$0x2] =	stream.indirect_vreg.gather [hbm4b:s15+s4], $0x80, v6, vm0, $0xb8;
	[tilespmem:$0x14300] =	vst v63  }
0x6f: {  	s3 =	simm.s32 $0x11300  }
0x70: {  	[tilespmem:s3], [sflag:$0x2] =	stream.indirect_vreg.gather [hbm4b:s16+s4], $0x80, v6, vm0, $0xb8;
	[tilespmem:$0x14300] =	vst v63  }
0x71: {  	s5 =	simm.s32 $0x11B00  }
0x72: {  	[tilespmem:s5], [sflag:$0x2] =	stream.indirect_vreg.gather [hbm4b:s17+s4], $0x80, v6, vm0, $0xb8;
	[tilespmem:$0x14300] =	vst v63  }
0x73: {  	s6 =	simm.s32 $0x12300  }
0x74: {  	[tilespmem:s6], [sflag:$0x2] =	stream.indirect_vreg.gather [hbm4b:s18+s4], $0x80, v6, vm0, $0xb8;
	[tilespmem:$0x14300] =	vst v63  }
0x75: {  	s21 =	simm.s32 $0x12B00  }
0x76: {  	[tilespmem:s21], [sflag:$0x2] =	stream.indirect_vreg.gather [hbm4b:s19+s4], $0x80, v6, vm0, $0xb8;
	[tilespmem:$0x14300] =	vst v63  }
0x77: {  	s25 =	simm.s32 $0x13300  }
0x78: {  	[tilespmem:s25], [sflag:$0x2] =	stream.indirect_vreg.gather [hbm4b:s20+s4], $0x80, v6, vm0, $0xb8;
	[tilespmem:$0x14300] =	vst v63  }
0x79: {  	s26 =	simm.s32 $0x13B00;
	s5 =	simm.s32 $0x0  }
0x7a: {  	v8 =	vimm.f32 $0.0e+00;
	v7 =	vimm.f32 $0.0e+00;
	[tilespmem:s26], [sflag:$0x2] =	stream.indirect_vreg.gather [hbm4b:s23+s4], $0x80, v6, vm0, $0xb8;
	v6 =	vimm.f32 $0.0e+00;
	[tilespmem:$0x14300] =	vst v63  }
.LBB2_2:
0x7b: {  	s0 =	sshll.u32 s5, $0xD  }
0x7c: {  	s1 =	sshll.u32 s5, $0x6;
	_ =	swait.ge [sflag:s22], $0x8000;
	s25 =	simm.s32 $0x100  }
0x7d: {  	s0 =	sand.u32 $0x7C000, s0;
	s3 =	sand.u32 $0x40, s1;
	s6 =	rddreg [dreg:$0xb]  }
0x7e: {  	[sflag:s22] =	ssyncset.done $0x0;
	s1 =	sor.u32 s6, s0;
	s21 =	sadd.s32 s28, s3  }
0x7f: {  	[sflag:s22] =	ssyncadd.s32 $0xFFFF8000;
	s6 =	simm.s32 $0x400;
	s0 =	sadd.s32 s1, s21  }
0x80: {  	[hbm4b:s0+s25] =	stream.strided.scatter [tilespmem:s29], [sflag:$0x3], $0x8000, s6, s25, $0x38;
	[tilespmem:$0x14300] =	vst v63  }
0x81: {  	s0 =	simm.s32 $0x0  }
0x82: {  	v9 =	vld [tilespmem:s0+$0x4300];
	_ =	sdelay $0x1  }
0x83: {  	v10 =	vld [tilespmem:s0+$0x4310];
	_ =	sdelay $0x1  }
0x84: {  	v11 =	vld [tilespmem:s0+$0x4320]  }
0x85: {  	v9 =	vmul.f32 $1.442695020e+00, v9  }
0x86: {  	v12 =	vld [tilespmem:s0+$0x4330]  }
0x87: {  	v10 =	vmul.f32 $1.442695020e+00, v10;
	(erf) = vpow2.f32 v9  }
0x88: {  	v9 =	vld [tilespmem:s0+$0x4340]  }
0x89: {  	v11 =	vmul.f32 $1.442695020e+00, v11;
	(erf) = vpow2.f32 v10;
	v10 =	vld [tilespmem:s0+$0x4350]  }
0x8a: {  	s6 =	sshll.u32 s5, $0x2  }
0x8b: {  	v13 =	vor.u32 s6, v1;
	v12 =	vmul.f32 $1.442695020e+00, v12;
	(erf) = vpow2.f32 v11;
	v11 =	vld [tilespmem:s0+$0x4360];
	_ =	sdelay $0x1  }
0x8c: {  	(erf) = vpow2.f32 v12  }
0x8d: {  	v12 =	vld [tilespmem:s0+$0x4370];
	v9 =	vmul.f32 $1.442695020e+00, v9;
	v10 =	vmul.f32 $1.442695020e+00, v10  }
0x8e: {  	s26 =	simm.s32 $0x4000  }
0x8f: {  	(erf) = vpow2.f32 v9;
	v9 =	vld.idx.msk [tilespmem:v13+s26+$0x0], $0xffff;
	v11 =	vmul.f32 $1.442695020e+00, v11;
	v13 =	vpop (erf)  }
0x90: {  	(erf) = vpow2.f32 v10;
	v13 =	vadd.f32 v13, v6  }
0x91: {  	v10 =	vpop (erf);
	(erf) = vpow2.f32 v11;
	v11 =	vld [tilespmem:s0+$0x4400]  }
0x92: {  	v12 =	vmul.f32 $1.442695020e+00, v12  }
0x93: {  	v15 =	vld [tilespmem:s0+$0x4410];
	v10 =	vadd.f32 v10, v13  }
0x94: {  	(erf) = vpow2.f32 v12;
	v14 =	vshll.u32 v9, $0x1;
	v13 =	vpop (erf)  }
0x95: {  	v9 =	vand.u32 $0x7F, v9;
	v12 =	vand.u32 $0xFFFFFF00, v14;
	v10 =	vadd.f32 v13, v10;
	v13 =	vld [tilespmem:s0+$0x4420]  }
0x96: {  	v9 =	vor.u32 v12, v9;
	v12 =	vld [tilespmem:s0+$0x4430];
	v11 =	vmul.f32 $1.442695020e+00, v11  }
0x97: {  	v14 =	vpop (erf)  }
0x98: {  	v15 =	vmul.f32 $1.442695020e+00, v15;
	v16 =	vpop (erf);
	v10 =	vadd.f32 v14, v10;
	(erf) = vpow2.f32 v11  }
0x99: {  	v14 =	vld [tilespmem:s0+$0x4440]  }
0x9a: {  	(erf) = vpow2.f32 v15;
	v10 =	vadd.f32 v16, v10;
	v11 =	vmul.f32 $1.442695020e+00, v13  }
0x9b: {  	v63 =	vld [tilespmem:s0+$0x4450];
	v9 =	vor.u32 v2, v9;
	v17 =	vpop (erf);
	v12 =	vmul.f32 $1.442695020e+00, v12  }
0x9c: {  	v13 =	vpop (erf);
	v10 =	vadd.f32 v17, v10;
	(erf) = vpow2.f32 v11  }
0x9d: {  	v11 =	vld [tilespmem:s0+$0x4460]  }
0x9e: {  	v14 =	vmul.f32 $1.442695020e+00, v14;
	v13 =	vadd.f32 v13, v10;
	(erf) = vpow2.f32 v12  }
0x9f: {  	v12 =	vpop (erf);
	v10 =	vld [tilespmem:s0+$0x4470]  }
0xa0: {  	s3 =	simm.s32 $0x200;
	s21 =	simm.s32 $0x1000;
	v9 =	vld.idx.msk [tilespmem:v9+s29+$0x0], $0xffff;
	(erf) = vpow2.f32 v14;
	v13 =	vadd.f32 v12, v13;
	v12 =	vmul.f32 $1.442695020e+00, v63  }
.LBB2_3:
0xa1: {  	p0 =	sne.s32 s21, $0x1F800;
	v14 =	vld [tilespmem:s3+$0x4300];
	v15 =	vpop (erf)  }
0xa2: {  	v13 =	vadd.f32 v15, v13;
	v11 =	vmul.f32 $1.442695020e+00, v11;
	(erf) = vpow2.f32 v12  }
0xa3: {  	v12 =	vld [tilespmem:s3+$0x4310];
	v15 =	vpop (erf)  }
0xa4: {  	v13 =	vadd.f32 v15, v13;
	v10 =	vmul.f32 $1.442695020e+00, v10;
	(erf) = vpow2.f32 v11  }
0xa5: {  	v11 =	vld [tilespmem:s3+$0x4320];
	v15 =	vpop (erf)  }
0xa6: {  	v14 =	vmul.f32 $1.442695020e+00, v14;
	v13 =	vadd.f32 v15, v13;
	(erf) = vpow2.f32 v10  }
0xa7: {  	v10 =	vld [tilespmem:s3+$0x4330];
	v15 =	vpop (erf)  }
0xa8: {  	v12 =	vmul.f32 $1.442695020e+00, v12;
	(erf) = vpow2.f32 v14;
	v13 =	vadd.f32 v15, v13  }
0xa9: {  	v14 =	vld [tilespmem:s3+$0x4340];
	v15 =	vpop (erf)  }
0xaa: {  	v11 =	vmul.f32 $1.442695020e+00, v11;
	(erf) = vpow2.f32 v12;
	v12 =	vadd.f32 v15, v13  }
0xab: {  	v13 =	vld [tilespmem:s3+$0x4350];
	v15 =	vpop (erf)  }
0xac: {  	v10 =	vmul.f32 $1.442695020e+00, v10;
	(erf) = vpow2.f32 v11;
	v11 =	vadd.f32 v15, v12  }
0xad: {  	v12 =	vld [tilespmem:s3+$0x4360];
	v15 =	vpop (erf)  }
0xae: {  	v14 =	vmul.f32 $1.442695020e+00, v14;
	(erf) = vpow2.f32 v10;
	v10 =	vadd.f32 v15, v11  }
0xaf: {  	v11 =	vld [tilespmem:s3+$0x4370];
	v15 =	vpop (erf)  }
0xb0: {  	v13 =	vmul.f32 $1.442695020e+00, v13;
	(erf) = vpow2.f32 v14;
	v10 =	vadd.f32 v15, v10  }
0xb1: {  	v14 =	vld [tilespmem:s3+$0x4400];
	v15 =	vpop (erf)  }
0xb2: {  	v10 =	vadd.f32 v15, v10;
	v12 =	vmul.f32 $1.442695020e+00, v12;
	(erf) = vpow2.f32 v13  }
0xb3: {  	v13 =	vld [tilespmem:s3+$0x4410];
	v15 =	vpop (erf)  }
0xb4: {  	v10 =	vadd.f32 v15, v10;
	v11 =	vmul.f32 $1.442695020e+00, v11;
	(erf) = vpow2.f32 v12  }
0xb5: {  	v12 =	vld [tilespmem:s3+$0x4420];
	v15 =	vpop (erf)  }
0xb6: {  	v10 =	vadd.f32 v15, v10;
	v14 =	vmul.f32 $1.442695020e+00, v14;
	(erf) = vpow2.f32 v11  }
0xb7: {  	v11 =	vld [tilespmem:s3+$0x4430];
	v15 =	vpop (erf)  }
0xb8: {  	v10 =	vadd.f32 v15, v10;
	v16 =	vmul.f32 $1.442695020e+00, v13;
	(erf) = vpow2.f32 v14  }
0xb9: {  	v14 =	vld [tilespmem:s3+$0x4440];
	v15 =	vpop (erf)  }
0xba: {  	v10 =	vadd.f32 v15, v10;
	v17 =	vmul.f32 $1.442695020e+00, v12;
	(erf) = vpow2.f32 v16  }
0xbb: {  	v15 =	vld [tilespmem:s3+$0x4450];
	v13 =	vpop (erf)  }
.Ltmp2:
0xbc: {  	v10 =	vadd.f32 v13, v10;
	v16 =	vmul.f32 $1.442695020e+00, v11;
	(erf) = vpow2.f32 v17;
	(pc) =	sbr.rel @p0 .LBB2_3-.Ltmp2, $4  }
0xbd: {  	v11 =	vld [tilespmem:s3+$0x4460];
	v12 =	vpop (erf)  }
0xbe: {  	v12 =	vadd.f32 v12, v10;
	v14 =	vmul.f32 $1.442695020e+00, v14;
	(erf) = vpow2.f32 v16  }
0xbf: {  	v10 =	vld [tilespmem:s3+$0x4470];
	v13 =	vpop (erf)  }
0xc0: {  	s3 =	sshra.s32 s21, $0x2;
	s21 =	sadd.s32 $0x800, s21;
	v13 =	vadd.f32 v13, v12;
	v12 =	vmul.f32 $1.442695020e+00, v15;
	(erf) = vpow2.f32 v14  }
0xc1: {  	v14 =	vld [tilespmem:s3+$0x4300];
	v15 =	vpop (erf)  }
0xc2: {  	v13 =	vadd.f32 v15, v13;
	v11 =	vmul.f32 $1.442695020e+00, v11;
	(erf) = vpow2.f32 v12  }
0xc3: {  	v12 =	vld [tilespmem:s3+$0x4310];
	v15 =	vpop (erf)  }
0xc4: {  	v13 =	vadd.f32 v15, v13;
	v10 =	vmul.f32 $1.442695020e+00, v10;
	(erf) = vpow2.f32 v11;
	v11 =	vld [tilespmem:s3+$0x4320]  }
0xc5: {  	v16 =	vld [tilespmem:s3+$0x4330];
	v15 =	vpop (erf)  }
0xc6: {  	v14 =	vmul.f32 $1.442695020e+00, v14;
	v13 =	vadd.f32 v15, v13;
	(erf) = vpow2.f32 v10;
	v10 =	vld [tilespmem:s3+$0x4340]  }
0xc7: {  	v17 =	vld [tilespmem:s3+$0x4350];
	v15 =	vpop (erf)  }
0xc8: {  	v12 =	vmul.f32 $1.442695020e+00, v12;
	(erf) = vpow2.f32 v14;
	v13 =	vadd.f32 v15, v13;
	v14 =	vld [tilespmem:s3+$0x4360]  }
0xc9: {  	v18 =	vld [tilespmem:s3+$0x4370];
	v15 =	vpop (erf);
	v11 =	vmul.f32 $1.442695020e+00, v11  }
0xca: {  	(erf) = vpow2.f32 v12;
	v12 =	vadd.f32 v15, v13;
	v13 =	vmul.f32 $1.442695020e+00, v16;
	v15 =	vld [tilespmem:s3+$0x4400]  }
0xcb: {  	v42 =	vpop (erf);
	(erf) = vpow2.f32 v11;
	v10 =	vmul.f32 $1.442695020e+00, v10;
	v11 =	vld [tilespmem:s3+$0x4410]  }
0xcc: {  	v43 =	vld [tilespmem:s3+$0x4420];
	v12 =	vadd.f32 v42, v12;
	(erf) = vpow2.f32 v13;
	v13 =	vmul.f32 $1.442695020e+00, v17  }
0xcd: {  	v44 =	vpop (erf);
	(erf) = vpow2.f32 v10;
	v10 =	vmul.f32 $1.442695020e+00, v14;
	v14 =	vld [tilespmem:s3+$0x4430]  }
0xce: {  	v45 =	vld [tilespmem:s3+$0x4440];
	v12 =	vadd.f32 v44, v12;
	(erf) = vpow2.f32 v13;
	v13 =	vmul.f32 $1.442695020e+00, v18  }
0xcf: {  	v46 =	vpop (erf);
	(erf) = vpow2.f32 v10;
	v10 =	vmul.f32 $1.442695020e+00, v15;
	v15 =	vld [tilespmem:s3+$0x4450]  }
0xd0: {  	v12 =	vadd.f32 v46, v12;
	(erf) = vpow2.f32 v13;
	v11 =	vmul.f32 $1.442695020e+00, v11;
	v13 =	vld [tilespmem:s3+$0x4460]  }
0xd1: {  	v48 =	vld [tilespmem:s3+$0x4470];
	v47 =	vpop (erf);
	(erf) = vpow2.f32 v10;
	v10 =	vmul.f32 $1.442695020e+00, v43  }
0xd2: {  	v12 =	vadd.f32 v47, v12;
	(erf) = vpow2.f32 v11;
	v11 =	vmul.f32 $1.442695020e+00, v14;
	v14 =	vld [tilespmem:s0+$0x4380]  }
0xd3: {  	v49 =	vpop (erf);
	(erf) = vpow2.f32 v10;
	v10 =	vmul.f32 $1.442695020e+00, v45  }
0xd4: {  	v12 =	vadd.f32 v49, v12;
	v50 =	vpop (erf);
	(erf) = vpow2.f32 v11;
	v11 =	vmul.f32 $1.442695020e+00, v15;
	v15 =	vld [tilespmem:s0+$0x4390]  }
0xd5: {  	v51 =	vpop (erf);
	(erf) = vpow2.f32 v10;
	v10 =	vmul.f32 $1.442695020e+00, v13  }
0xd6: {  	v12 =	vadd.f32 v50, v12;
	v13 =	vpop (erf);
	(erf) = vpow2.f32 v11;
	v11 =	vmul.f32 $1.442695020e+00, v48  }
0xd7: {  	v53 =	vpop (erf);
	(erf) = vpow2.f32 v10;
	v10 =	vmul.f32 $1.442695020e+00, v14  }
0xd8: {  	v12 =	vadd.f32 v51, v12;
	v14 =	vpop (erf);
	(erf) = vpow2.f32 v11;
	v11 =	vld [tilespmem:s0+$0x43B0]  }
0xd9: {  	v52 =	vld [tilespmem:s0+$0x43A0];
	v15 =	vmul.f32 $1.442695020e+00, v15  }
0xda: {  	v54 =	vpop (erf);
	(erf) = vpow2.f32 v10;
	v12 =	vadd.f32 v13, v12;
	v13 =	vld [tilespmem:s0+$0x43C0]  }
0xdb: {  	v10 =	vpop (erf)  }
0xdc: {  	v19 =	vpop (erf)  }
0xdd: {  	v55 =	vld [tilespmem:s0+$0x43D0];
	(erf) = vpow2.f32 v15;
	v12 =	vadd.f32 v53, v12;
	v15 =	vpop (erf);
	v11 =	vmul.f32 $1.442695020e+00, v11  }
0xde: {  	v16 =	vmul.f32 $1.442695020e+00, v52;
	v20 =	vpop (erf)  }
0xdf: {  	v12 =	vadd.f32 v14, v12;
	v14 =	vld [tilespmem:s0+$0x43E0];
	v56 =	vpop (erf);
	v13 =	vmul.f32 $1.442695020e+00, v13  }
0xe0: {  	(erf) = vpow2.f32 v16;
	v21 =	vpop (erf)  }
0xe1: {  	(erf) = vpow2.f32 v11;
	v12 =	vadd.f32 v54, v12;
	v11 =	vpop (erf)  }
0xe2: {  	v17 =	vmul.f32 $1.442695020e+00, v55;
	v22 =	vpop (erf)  }
0xe3: {  	v57 =	vld [tilespmem:s0+$0x43F0];
	(erf) = vpow2.f32 v13;
	v10 =	vadd.f32 v10, v12;
	v12 =	vimm.f32 $0.0e+00;
	v13 =	vpop (erf)  }
0xe4: {  	v12 =	vadd.f32 v13, v12;
	v13 =	vmul.f32 $1.442695020e+00, v14  }
0xe5: {  	(erf) = vpow2.f32 v17  }
0xe6: {  	v14 =	vpop (erf);
	(erf) = vpow2.f32 v13;
	v13 =	vld [tilespmem:s0+$0x4480]  }
0xe7: {  	v10 =	vadd.f32 v19, v10  }
0xe8: {  	v58 =	vld [tilespmem:s0+$0x4490];
	v12 =	vadd.f32 v14, v12;
	v14 =	vmul.f32 $1.442695020e+00, v57  }
0xe9: {  	v10 =	vadd.f32 v15, v10;
	v15 =	vpop (erf)  }
0xea: {  	v12 =	vadd.f32 v15, v12;
	(erf) = vpow2.f32 v14;
	v14 =	vld [tilespmem:s0+$0x44A0]  }
0xeb: {  	v10 =	vadd.f32 v20, v10;
	v15 =	vpop (erf);
	v13 =	vmul.f32 $1.442695020e+00, v13  }
0xec: {  	v59 =	vld [tilespmem:s0+$0x44B0];
	v12 =	vadd.f32 v15, v12  }
0xed: {  	v61 =	vmul.f32 $1.442695020e+00, v58;
	v10 =	vadd.f32 v56, v10;
	v60 =	vpop (erf);
	(erf) = vpow2.f32 v13  }
0xee: {  	v15 =	vld [tilespmem:s0+$0x44C0];
	v12 =	vadd.f32 v60, v12  }
0xef: {  	v10 =	vadd.f32 v21, v10;
	v63 =	vpop (erf);
	v13 =	vmul.f32 $1.442695020e+00, v14;
	(erf) = vpow2.f32 v61  }
0xf0: {  	v62 =	vld [tilespmem:s0+$0x44D0];
	v12 =	vadd.f32 v63, v12  }
0xf1: {  	v10 =	vadd.f32 v11, v10;
	v11 =	vmul.f32 $1.442695020e+00, v59;
	v14 =	vpop (erf);
	(erf) = vpow2.f32 v13  }
0xf2: {  	v13 =	vadd.f32 v14, v12;
	v12 =	vld [tilespmem:s0+$0x44E0]  }
0xf3: {  	v15 =	vmul.f32 $1.442695020e+00, v15;
	(erf) = vpow2.f32 v11  }
0xf4: {  	v10 =	vadd.f32 v22, v10;
	v11 =	vld [tilespmem:s0+$0x44F0];
	v14 =	vpop (erf)  }
0xf5: {  	s3 =	simm.s32 $0x1000;
	s0 =	simm.s32 $0x200;
	(erf) = vpow2.f32 v15;
	v14 =	vadd.f32 v14, v13;
	v13 =	vmul.f32 $1.442695020e+00, v62  }
.LBB2_5:
0xf6: {  	p0 =	sne.s32 s3, $0x1F800;
	v15 =	vld [tilespmem:s0+$0x4380];
	v16 =	vpop (erf)  }
0xf7: {  	v14 =	vadd.f32 v16, v14;
	v12 =	vmul.f32 $1.442695020e+00, v12;
	(erf) = vpow2.f32 v13  }
0xf8: {  	v13 =	vld [tilespmem:s0+$0x4390];
	v16 =	vpop (erf)  }
0xf9: {  	v14 =	vadd.f32 v16, v14;
	v11 =	vmul.f32 $1.442695020e+00, v11;
	(erf) = vpow2.f32 v12  }
0xfa: {  	v12 =	vld [tilespmem:s0+$0x43A0];
	v16 =	vpop (erf)  }
0xfb: {  	v15 =	vmul.f32 $1.442695020e+00, v15;
	v14 =	vadd.f32 v16, v14;
	(erf) = vpow2.f32 v11  }
0xfc: {  	v11 =	vld [tilespmem:s0+$0x43B0];
	v16 =	vpop (erf)  }
0xfd: {  	v13 =	vmul.f32 $1.442695020e+00, v13;
	(erf) = vpow2.f32 v15;
	v14 =	vadd.f32 v16, v14  }
0xfe: {  	v15 =	vld [tilespmem:s0+$0x43C0];
	v16 =	vpop (erf)  }
0xff: {  	v12 =	vmul.f32 $1.442695020e+00, v12;
	(erf) = vpow2.f32 v13;
	v13 =	vadd.f32 v16, v14  }
0x100: {  	v14 =	vld [tilespmem:s0+$0x43D0];
	v16 =	vpop (erf)  }
0x101: {  	v11 =	vmul.f32 $1.442695020e+00, v11;
	(erf) = vpow2.f32 v12;
	v12 =	vadd.f32 v16, v13  }
0x102: {  	v13 =	vld [tilespmem:s0+$0x43E0];
	v16 =	vpop (erf)  }
0x103: {  	v15 =	vmul.f32 $1.442695020e+00, v15;
	(erf) = vpow2.f32 v11;
	v11 =	vadd.f32 v16, v12  }
0x104: {  	v12 =	vld [tilespmem:s0+$0x43F0];
	v16 =	vpop (erf)  }
0x105: {  	v14 =	vmul.f32 $1.442695020e+00, v14;
	(erf) = vpow2.f32 v15;
	v11 =	vadd.f32 v16, v11  }
0x106: {  	v15 =	vld [tilespmem:s0+$0x4480];
	v16 =	vpop (erf)  }
0x107: {  	v11 =	vadd.f32 v16, v11;
	v13 =	vmul.f32 $1.442695020e+00, v13;
	(erf) = vpow2.f32 v14  }
0x108: {  	v14 =	vld [tilespmem:s0+$0x4490];
	v16 =	vpop (erf)  }
0x109: {  	v11 =	vadd.f32 v16, v11;
	v12 =	vmul.f32 $1.442695020e+00, v12;
	(erf) = vpow2.f32 v13  }
0x10a: {  	v13 =	vld [tilespmem:s0+$0x44A0];
	v16 =	vpop (erf)  }
0x10b: {  	v11 =	vadd.f32 v16, v11;
	v15 =	vmul.f32 $1.442695020e+00, v15;
	(erf) = vpow2.f32 v12  }
0x10c: {  	v12 =	vld [tilespmem:s0+$0x44B0];
	v16 =	vpop (erf)  }
0x10d: {  	v11 =	vadd.f32 v16, v11;
	v17 =	vmul.f32 $1.442695020e+00, v14;
	(erf) = vpow2.f32 v15  }
0x10e: {  	v15 =	vld [tilespmem:s0+$0x44C0];
	v16 =	vpop (erf)  }
0x10f: {  	v11 =	vadd.f32 v16, v11;
	v18 =	vmul.f32 $1.442695020e+00, v13;
	(erf) = vpow2.f32 v17  }
0x110: {  	v16 =	vld [tilespmem:s0+$0x44D0];
	v14 =	vpop (erf)  }
.Ltmp3:
0x111: {  	v11 =	vadd.f32 v14, v11;
	v17 =	vmul.f32 $1.442695020e+00, v12;
	(erf) = vpow2.f32 v18;
	(pc) =	sbr.rel @p0 .LBB2_5-.Ltmp3, $4  }
0x112: {  	v12 =	vld [tilespmem:s0+$0x44E0];
	v13 =	vpop (erf)  }
0x113: {  	v13 =	vadd.f32 v13, v11;
	v15 =	vmul.f32 $1.442695020e+00, v15;
	(erf) = vpow2.f32 v17  }
0x114: {  	v11 =	vld [tilespmem:s0+$0x44F0];
	v14 =	vpop (erf)  }
0x115: {  	s0 =	sshra.s32 s3, $0x2;
	s3 =	sadd.s32 $0x800, s3;
	v14 =	vadd.f32 v14, v13;
	v13 =	vmul.f32 $1.442695020e+00, v16;
	(erf) = vpow2.f32 v15  }
0x116: {  	v15 =	vld [tilespmem:s0+$0x4380];
	v16 =	vpop (erf)  }
0x117: {  	v14 =	vadd.f32 v16, v14;
	v12 =	vmul.f32 $1.442695020e+00, v12;
	(erf) = vpow2.f32 v13  }
0x118: {  	v13 =	vld [tilespmem:s0+$0x4390];
	v38 =	vpop (erf)  }
0x119: {  	v14 =	vadd.f32 v38, v14;
	v11 =	vmul.f32 $1.442695020e+00, v11;
	(erf) = vpow2.f32 v12  }
0x11a: {  	v12 =	vld [tilespmem:s0+$0x43A0];
	v39 =	vpop (erf)  }
0x11b: {  	v15 =	vmul.f32 $1.442695020e+00, v15;
	v14 =	vadd.f32 v39, v14;
	(erf) = vpow2.f32 v11  }
0x11c: {  	v11 =	vld [tilespmem:s0+$0x43B0];
	v40 =	vpop (erf)  }
0x11d: {  	v13 =	vmul.f32 $1.442695020e+00, v13;
	(erf) = vpow2.f32 v15;
	v14 =	vadd.f32 v40, v14  }
0x11e: {  	v15 =	vld [tilespmem:s0+$0x43C0];
	v41 =	vpop (erf)  }
0x11f: {  	v12 =	vmul.f32 $1.442695020e+00, v12;
	(erf) = vpow2.f32 v13;
	v13 =	vadd.f32 v41, v14  }
0x120: {  	v14 =	vld [tilespmem:s0+$0x43D0];
	v42 =	vpop (erf)  }
0x121: {  	v11 =	vmul.f32 $1.442695020e+00, v11;
	(erf) = vpow2.f32 v12;
	v12 =	vadd.f32 v42, v13  }
0x122: {  	v13 =	vld [tilespmem:s0+$0x43E0];
	v43 =	vpop (erf)  }
0x123: {  	v15 =	vmul.f32 $1.442695020e+00, v15;
	(erf) = vpow2.f32 v11;
	v11 =	vadd.f32 v43, v12  }
0x124: {  	v12 =	vld [tilespmem:s0+$0x43F0];
	v44 =	vpop (erf)  }
0x125: {  	v14 =	vmul.f32 $1.442695020e+00, v14;
	(erf) = vpow2.f32 v15;
	v11 =	vadd.f32 v44, v11  }
0x126: {  	v15 =	vld [tilespmem:s0+$0x4480];
	v45 =	vpop (erf)  }
0x127: {  	v13 =	vmul.f32 $1.442695020e+00, v13;
	(erf) = vpow2.f32 v14;
	v11 =	vadd.f32 v45, v11  }
0x128: {  	v14 =	vld [tilespmem:s0+$0x4490];
	v46 =	vpop (erf)  }
0x129: {  	v12 =	vmul.f32 $1.442695020e+00, v12;
	(erf) = vpow2.f32 v13;
	v11 =	vadd.f32 v46, v11  }
0x12a: {  	v13 =	vld [tilespmem:s0+$0x44A0];
	v47 =	vpop (erf)  }
0x12b: {  	v15 =	vmul.f32 $1.442695020e+00, v15;
	(erf) = vpow2.f32 v12;
	v11 =	vadd.f32 v47, v11  }
0x12c: {  	v12 =	vld [tilespmem:s0+$0x44B0];
	v48 =	vpop (erf)  }
0x12d: {  	v14 =	vmul.f32 $1.442695020e+00, v14;
	(erf) = vpow2.f32 v15;
	v15 =	vld [tilespmem:s0+$0x44C0];
	v11 =	vadd.f32 v48, v11  }
0x12e: {  	v49 =	vpop (erf)  }
0x12f: {  	v13 =	vmul.f32 $1.442695020e+00, v13;
	(erf) = vpow2.f32 v14;
	v14 =	vld [tilespmem:s0+$0x44D0];
	v11 =	vadd.f32 v49, v11  }
0x130: {  	v50 =	vpop (erf)  }
0x131: {  	v12 =	vmul.f32 $1.442695020e+00, v12;
	(erf) = vpow2.f32 v13;
	v13 =	vld [tilespmem:s0+$0x44E0];
	v11 =	vadd.f32 v50, v11  }
0x132: {  	v15 =	vmul.f32 $1.442695020e+00, v15;
	v51 =	vpop (erf)  }
0x133: {  	(erf) = vpow2.f32 v12;
	v12 =	vld [tilespmem:s0+$0x44F0];
	v11 =	vadd.f32 v51, v11  }
0x134: {  	v14 =	vmul.f32 $1.442695020e+00, v14;
	v52 =	vpop (erf)  }
0x135: {  	(erf) = vpow2.f32 v15;
	v11 =	vadd.f32 v52, v11  }
0x136: {  	v15 =	vpop (erf);
	v13 =	vmul.f32 $1.442695020e+00, v13  }
0x137: {  	(erf) = vpow2.f32 v14;
	v11 =	vadd.f32 v15, v11  }
0x138: {  	v14 =	vpop (erf);
	v12 =	vmul.f32 $1.442695020e+00, v12  }
0x139: {  	(erf) = vpow2.f32 v13;
	v11 =	vadd.f32 v14, v11  }
0x13a: {  	v13 =	vpop (erf)  }
0x13b: {  	(erf) = vpow2.f32 v12;
	v11 =	vadd.f32 v13, v11  }
0x13c: {  	v12 =	vpop (erf)  }
0x13d: {  	v11 =	vadd.f32 v12, v11  }
0x13e: {  	v12 =	vpop (erf)  }
0x13f: {  	v11 =	vadd.f32 v12, v11  }
0x140: {  	v12 =	vpop (erf)  }
0x141: {  	v11 =	vadd.f32 v12, v11  }
0x142: {  	v12 =	vpop (erf)  }
0x143: {  	v11 =	vadd.f32 v12, v11  }
0x144: {  	v12 =	vpop (erf)  }
0x145: {  	v11 =	vadd.f32 v12, v11  }
0x146: {  	(xrf2) =	vadd.scan.msk.f32 $0xffff, v10  }
0x147: {  	(xrf2) =	vadd.scan.msk.f32 $0xffff, v11;
	_ =	sdelay $0x8  }
0x148: {  	v10, _, _ =	vpop (xrf2)  }
0x149: {  	v12, _, _ =	vpop (xrf2)  }
0x14a: {  	_ =	swait.ge [sflag:s30], $0x8000  }
0x14b: {  	s21 =	sshll.u32 s5, $0xA;
	p0 =	seq.s32 s5, $0x3F;
	[sflag:s30] =	ssyncset.done $0x0  }
0x14c: {  	s0 =	sshrl.u32 @!p0 s21, $0x2;
	[sflag:s30] =	ssyncadd.s32 $0xFFFF8000  }
0x14d: {  	v11 =	vld.msk @!p0 [tilespmem:s0+$0x100], $0x3;
	_ =	sdelay $0x4  }
0x14e: {  	v13 =	vshll.u32 @!p0 v11, $0x7  }
0x14f: {  	v14 =	vlaneseq.u32 @!p0;
	v11 =	vand.u32 @!p0 $0x7, v11;
	v13 =	vand.u32 @!p0 $0xFFFFFC00, v13  }
0x150: {  	v11 =	vor.u32 @!p0 v11, v13;
	v13 =	vand.u32 @!p0 $0x1, v14;
	v14 =	vshrl.u32 @!p0 v14, $0x1  }
0x151: {  	v11 =	vperm.xlane @!p0 v11, v13;
	v13 =	vmul.u32 @!p0 $0x8, v14;
	_ =	sdelay $0x1  }
0x152: {  	v11 =	vadd.s32 @!p0 v13, v11;
	_ =	sdelay $0x3  }
0x153: {  	vm1 =	vmmov @!p0 $0xffff;
	s3 =	simm.s32 @!p0 $0x4300;
	s0 =	simm.s32 @!p0 $0x0  }
0x154: {  	[tilespmem:s3], [sflag:$0x1] =	stream.indirect_vreg.gather @!p0 [hbm4b:s24+s0], $0x80, v11, vm1, $0xb8;
	[tilespmem:$0x14300] =	vst v63  }
0x155: {  	s3 =	simm.s32 @!p0 $0x4B00  }
0x156: {  	[tilespmem:s3], [sflag:$0x1] =	stream.indirect_vreg.gather @!p0 [hbm4b:s7+s0], $0x80, v11, vm1, $0xb8;
	[tilespmem:$0x14300] =	vst v63  }
0x157: {  	s3 =	simm.s32 @!p0 $0x5300  }
0x158: {  	[tilespmem:s3], [sflag:$0x1] =	stream.indirect_vreg.gather @!p0 [hbm4b:s8+s0], $0x80, v11, vm1, $0xb8;
	[tilespmem:$0x14300] =	vst v63  }
0x159: {  	s3 =	simm.s32 @!p0 $0x5B00  }
0x15a: {  	[tilespmem:s3], [sflag:$0x1] =	stream.indirect_vreg.gather @!p0 [hbm4b:s9+s0], $0x80, v11, vm1, $0xb8;
	[tilespmem:$0x14300] =	vst v63  }
0x15b: {  	s3 =	simm.s32 @!p0 $0x6300  }
0x15c: {  	[tilespmem:s3], [sflag:$0x1] =	stream.indirect_vreg.gather @!p0 [hbm4b:s10+s0], $0x80, v11, vm1, $0xb8;
	[tilespmem:$0x14300] =	vst v63  }
0x15d: {  	s3 =	simm.s32 @!p0 $0x6B00  }
0x15e: {  	[tilespmem:s3], [sflag:$0x1] =	stream.indirect_vreg.gather @!p0 [hbm4b:s11+s0], $0x80, v11, vm1, $0xb8;
	[tilespmem:$0x14300] =	vst v63  }
0x15f: {  	s3 =	simm.s32 @!p0 $0x7300  }
0x160: {  	[tilespmem:s3], [sflag:$0x1] =	stream.indirect_vreg.gather @!p0 [hbm4b:s12+s0], $0x80, v11, vm1, $0xb8;
	[tilespmem:$0x14300] =	vst v63  }
0x161: {  	s3 =	simm.s32 @!p0 $0x7B00  }
0x162: {  	[tilespmem:s3], [sflag:$0x1] =	stream.indirect_vreg.gather @!p0 [hbm4b:s13+s0], $0x80, v11, vm1, $0xb8;
	[tilespmem:$0x14300] =	vst v63  }
0x163: {  	s3 =	simm.s32 @!p0 $0x8300  }
0x164: {  	[tilespmem:s3], [sflag:$0x1] =	stream.indirect_vreg.gather @!p0 [hbm4b:s14+s0], $0x80, v11, vm1, $0xb8;
	[tilespmem:$0x14300] =	vst v63  }
0x165: {  	s3 =	simm.s32 @!p0 $0x8B00  }
0x166: {  	[tilespmem:s3], [sflag:$0x1] =	stream.indirect_vreg.gather @!p0 [hbm4b:s15+s0], $0x80, v11, vm1, $0xb8;
	[tilespmem:$0x14300] =	vst v63  }
0x167: {  	s3 =	simm.s32 @!p0 $0x9300  }
0x168: {  	[tilespmem:s3], [sflag:$0x1] =	stream.indirect_vreg.gather @!p0 [hbm4b:s16+s0], $0x80, v11, vm1, $0xb8;
	[tilespmem:$0x14300] =	vst v63  }
0x169: {  	s3 =	simm.s32 @!p0 $0x9B00  }
0x16a: {  	[tilespmem:s3], [sflag:$0x1] =	stream.indirect_vreg.gather @!p0 [hbm4b:s17+s0], $0x80, v11, vm1, $0xb8;
	[tilespmem:$0x14300] =	vst v63  }
0x16b: {  	s3 =	simm.s32 @!p0 $0xA300  }
0x16c: {  	[tilespmem:s3], [sflag:$0x1] =	stream.indirect_vreg.gather @!p0 [hbm4b:s18+s0], $0x80, v11, vm1, $0xb8;
	[tilespmem:$0x14300] =	vst v63  }
0x16d: {  	s3 =	simm.s32 @!p0 $0xAB00  }
0x16e: {  	[tilespmem:s3], [sflag:$0x1] =	stream.indirect_vreg.gather @!p0 [hbm4b:s19+s0], $0x80, v11, vm1, $0xb8;
	[tilespmem:$0x14300] =	vst v63  }
0x16f: {  	s3 =	simm.s32 @!p0 $0xB300  }
0x170: {  	[tilespmem:s3], [sflag:$0x1] =	stream.indirect_vreg.gather @!p0 [hbm4b:s20+s0], $0x80, v11, vm1, $0xb8;
	[tilespmem:$0x14300] =	vst v63  }
0x171: {  	s25 =	smov.u32 s24;
	s3 =	simm.s32 @!p0 $0xBB00  }
0x172: {  	[tilespmem:s3], [sflag:$0x1] =	stream.indirect_vreg.gather @!p0 [hbm4b:s23+s0], $0x80, v11, vm1, $0xb8;
	[tilespmem:$0x14300] =	vst v63  }
0x173: {  	s1 =	sadd.s32 s28, s1;
	s0 =	sor.u32 $0x2, s6;
	_ =	swait.ge [sflag:s31], $0x8000  }
0x174: {  	s24 =	simm.s32 $0x100;
	s26 =	sshll.u32 s0, $0x4;
	[sflag:s31] =	ssyncset.done $0x0  }
0x175: {  	s3 =	sand.u32 $0x60, s26;
	s26 =	smov.u32 s28;
	s28 =	simm.s32 $0x400  }
0x176: {  	[sflag:s31] =	ssyncadd.s32 $0xFFFF8000;
	s1 =	sadd.s32 s3, s1;
	s3 =	simm.s32 $0xC300  }
0x177: {  	[hbm4b:s1+s24] =	stream.strided.scatter [tilespmem:s3], [sflag:$0x4], $0x8000, s28, s24, $0x38;
	[tilespmem:$0x14300] =	vst v63  }
0x178: {  	s24 =	simm.s32 $0x0  }
0x179: {  	v11 =	vld [tilespmem:s24+$0xC300];
	_ =	sdelay $0x1  }
0x17a: {  	v13 =	vld [tilespmem:s24+$0xC310];
	_ =	sdelay $0x1  }
0x17b: {  	v14 =	vld [tilespmem:s24+$0xC320]  }
0x17c: {  	v11 =	vmul.f32 $1.442695020e+00, v11  }
0x17d: {  	v15 =	vld [tilespmem:s24+$0xC330]  }
0x17e: {  	v13 =	vmul.f32 $1.442695020e+00, v13;
	(erf) = vpow2.f32 v11  }
0x17f: {  	v11 =	vld [tilespmem:s24+$0xC340]  }
0x180: {  	v14 =	vmul.f32 $1.442695020e+00, v14;
	(erf) = vpow2.f32 v13;
	v13 =	vld [tilespmem:s24+$0xC350];
	_ =	sdelay $0x1  }
0x181: {  	v53 =	vld [tilespmem:s24+$0xC360];
	v15 =	vmul.f32 $1.442695020e+00, v15;
	(erf) = vpow2.f32 v14;
	_ =	sdelay $0x1  }
0x182: {  	(erf) = vpow2.f32 v15;
	v15 =	vld [tilespmem:s24+$0xC370];
	v11 =	vmul.f32 $1.442695020e+00, v11  }
0x183: {  	v13 =	vmul.f32 $1.442695020e+00, v13  }
0x184: {  	v14 =	vor.u32 s0, v1;
	(erf) = vpow2.f32 v11  }
0x185: {  	v11 =	vimm.f32 $0.0e+00;
	(erf) = vpow2.f32 v13;
	v13 =	vmul.f32 $1.442695020e+00, v53;
	v17 =	vpop (erf)  }
0x186: {  	v17 =	vadd.f32 v17, v11  }
0x187: {  	v18 =	vld [tilespmem:s24+$0xC400];
	v15 =	vmul.f32 $1.442695020e+00, v15;
	v54 =	vpop (erf)  }
0x188: {  	s3 =	simm.s32 $0x4000;
	v57 =	vld [tilespmem:s24+$0xC410];
	v16 =	vadd.f32 v54, v17  }
0x189: {  	s1 =	sand.u32 $0xC, s6;
	v14 =	vld.idx.msk [tilespmem:v14+s3+$0x0], $0xffff;
	(erf) = vpow2.f32 v13;
	v13 =	vpop (erf)  }
0x18a: {  	v10 =	vbroadcast v10, $0xF;
	v55 =	vmov s1;
	v13 =	vadd.f32 v13, v16  }
0x18b: {  	v12 =	vbroadcast v12, $0xF;
	vm1 =	vlt.u32 v55, v4;
	s3 =	sor.u32 $0x2, s1;
	(erf) = vpow2.f32 v15;
	v15 =	vpop (erf)  }
0x18c: {  	vm3 =	veq.s32 v55, v0;
	v19 =	vmov s3;
	v13 =	vadd.f32 v15, v13;
	v15 =	vld [tilespmem:s24+$0xC420]  }
0x18d: {  	v58 =	vld [tilespmem:s24+$0xC430];
	v8 =	vsel vm3, v10, v8;
	v18 =	vmul.f32 $1.442695020e+00, v18;
	vm2 =	vgt.u32 v19, v0  }
0x18e: {  	v19 =	vmul.f32 $1.442695020e+00, v57;
	v56 =	vshll.u32 v14, $0x1;
	v14 =	vand.u32 $0x7F, v14;
	v59 =	vpop (erf)  }
0x18f: {  	v16 =	vand.u32 $0xFFFFFF00, v56;
	v10 =	vpop (erf);
	(erf) = vpow2.f32 v18;
	v13 =	vadd.f32 v59, v13  }
0x190: {  	v60 =	vld [tilespmem:s24+$0xC440];
	s3 =	sor.u32 $0x1, s1;
	vm1 =	vmand vm1, vm2;
	v14 =	vor.u32 v14, v16;
	(erf) = vpow2.f32 v19  }
0x191: {  	v10 =	vadd.f32 v10, v13;
	v13 =	vmov s3;
	v15 =	vmul.f32 $1.442695020e+00, v15  }
0x192: {  	v61 =	vld [tilespmem:s24+$0xC450];
	v14 =	vadd.s32 v5, v14;
	vm2 =	veq.s32 v13, v0;
	v13 =	vmul.f32 $1.442695020e+00, v58  }
0x193: {  	v62 =	vpop (erf);
	(erf) = vpow2.f32 v15  }
0x194: {  	v8 =	vsel vm2, v12, v8;
	v12 =	vld [tilespmem:s24+$0xC460]  }
0x195: {  	v63 =	vmul.f32 $1.442695020e+00, v60;
	v15 =	vadd.f32 v62, v10;
	(erf) = vpow2.f32 v13  }
0x196: {  	v7 =	vsel vm1, v9, v7;
	v9 =	vld [tilespmem:s24+$0xC470];
	v13 =	vpop (erf)  }
0x197: {  	s28 =	simm.s32 $0x1000;
	s3 =	simm.s32 $0x200;
	v10 =	vld.idx.msk [tilespmem:v14+s29+$0x0], $0xffff;
	(erf) = vpow2.f32 v63;
	v14 =	vadd.f32 v13, v15;
	v13 =	vmul.f32 $1.442695020e+00, v61  }
.LBB2_7:
0x198: {  	p1 =	sne.s32 s28, $0x1F800;
	v15 =	vld [tilespmem:s3+$0xC300];
	v16 =	vpop (erf)  }
0x199: {  	v14 =	vadd.f32 v16, v14;
	v12 =	vmul.f32 $1.442695020e+00, v12;
	(erf) = vpow2.f32 v13  }
0x19a: {  	v13 =	vld [tilespmem:s3+$0xC310];
	v16 =	vpop (erf)  }
0x19b: {  	v14 =	vadd.f32 v16, v14;
	v9 =	vmul.f32 $1.442695020e+00, v9;
	(erf) = vpow2.f32 v12  }
0x19c: {  	v12 =	vld [tilespmem:s3+$0xC320];
	v16 =	vpop (erf)  }
0x19d: {  	v15 =	vmul.f32 $1.442695020e+00, v15;
	v14 =	vadd.f32 v16, v14;
	(erf) = vpow2.f32 v9  }
0x19e: {  	v9 =	vld [tilespmem:s3+$0xC330];
	v16 =	vpop (erf)  }
0x19f: {  	v13 =	vmul.f32 $1.442695020e+00, v13;
	(erf) = vpow2.f32 v15;
	v14 =	vadd.f32 v16, v14  }
0x1a0: {  	v15 =	vld [tilespmem:s3+$0xC340];
	v16 =	vpop (erf)  }
0x1a1: {  	v12 =	vmul.f32 $1.442695020e+00, v12;
	(erf) = vpow2.f32 v13;
	v13 =	vadd.f32 v16, v14  }
0x1a2: {  	v14 =	vld [tilespmem:s3+$0xC350];
	v16 =	vpop (erf)  }
0x1a3: {  	v9 =	vmul.f32 $1.442695020e+00, v9;
	(erf) = vpow2.f32 v12;
	v12 =	vadd.f32 v16, v13  }
0x1a4: {  	v13 =	vld [tilespmem:s3+$0xC360];
	v16 =	vpop (erf)  }
0x1a5: {  	v15 =	vmul.f32 $1.442695020e+00, v15;
	(erf) = vpow2.f32 v9;
	v9 =	vadd.f32 v16, v12  }
0x1a6: {  	v12 =	vld [tilespmem:s3+$0xC370];
	v16 =	vpop (erf)  }
0x1a7: {  	v14 =	vmul.f32 $1.442695020e+00, v14;
	(erf) = vpow2.f32 v15;
	v9 =	vadd.f32 v16, v9  }
0x1a8: {  	v15 =	vld [tilespmem:s3+$0xC400];
	v16 =	vpop (erf)  }
0x1a9: {  	v9 =	vadd.f32 v16, v9;
	v13 =	vmul.f32 $1.442695020e+00, v13;
	(erf) = vpow2.f32 v14  }
0x1aa: {  	v14 =	vld [tilespmem:s3+$0xC410];
	v16 =	vpop (erf)  }
0x1ab: {  	v9 =	vadd.f32 v16, v9;
	v12 =	vmul.f32 $1.442695020e+00, v12;
	(erf) = vpow2.f32 v13  }
0x1ac: {  	v13 =	vld [tilespmem:s3+$0xC420];
	v16 =	vpop (erf)  }
0x1ad: {  	v9 =	vadd.f32 v16, v9;
	v15 =	vmul.f32 $1.442695020e+00, v15;
	(erf) = vpow2.f32 v12  }
0x1ae: {  	v12 =	vld [tilespmem:s3+$0xC430];
	v16 =	vpop (erf)  }
0x1af: {  	v9 =	vadd.f32 v16, v9;
	v17 =	vmul.f32 $1.442695020e+00, v14;
	(erf) = vpow2.f32 v15  }
0x1b0: {  	v15 =	vld [tilespmem:s3+$0xC440];
	v16 =	vpop (erf)  }
0x1b1: {  	v9 =	vadd.f32 v16, v9;
	v18 =	vmul.f32 $1.442695020e+00, v13;
	(erf) = vpow2.f32 v17  }
0x1b2: {  	v16 =	vld [tilespmem:s3+$0xC450];
	v14 =	vpop (erf)  }
.Ltmp4:
0x1b3: {  	v9 =	vadd.f32 v14, v9;
	v17 =	vmul.f32 $1.442695020e+00, v12;
	(erf) = vpow2.f32 v18;
	(pc) =	sbr.rel @p1 .LBB2_7-.Ltmp4, $4  }
0x1b4: {  	v12 =	vld [tilespmem:s3+$0xC460];
	v13 =	vpop (erf)  }
0x1b5: {  	v13 =	vadd.f32 v13, v9;
	v15 =	vmul.f32 $1.442695020e+00, v15;
	(erf) = vpow2.f32 v17  }
0x1b6: {  	v9 =	vld [tilespmem:s3+$0xC470];
	v14 =	vpop (erf)  }
0x1b7: {  	s3 =	sshra.s32 s28, $0x2;
	s28 =	sadd.s32 $0x800, s28;
	v14 =	vadd.f32 v14, v13;
	v13 =	vmul.f32 $1.442695020e+00, v16;
	(erf) = vpow2.f32 v15  }
0x1b8: {  	v15 =	vld [tilespmem:s3+$0xC300];
	v16 =	vpop (erf)  }
0x1b9: {  	v14 =	vadd.f32 v16, v14;
	v12 =	vmul.f32 $1.442695020e+00, v12;
	(erf) = vpow2.f32 v13  }
0x1ba: {  	v13 =	vld [tilespmem:s3+$0xC310];
	v35 =	vpop (erf)  }
0x1bb: {  	v14 =	vadd.f32 v35, v14;
	v9 =	vmul.f32 $1.442695020e+00, v9;
	(erf) = vpow2.f32 v12  }
0x1bc: {  	v12 =	vld [tilespmem:s3+$0xC320];
	v36 =	vpop (erf)  }
0x1bd: {  	v17 =	vld [tilespmem:s3+$0xC330];
	v15 =	vmul.f32 $1.442695020e+00, v15;
	v14 =	vadd.f32 v36, v14;
	(erf) = vpow2.f32 v9  }
0x1be: {  	v9 =	vld [tilespmem:s3+$0xC340];
	v37 =	vpop (erf)  }
0x1bf: {  	v18 =	vld [tilespmem:s3+$0xC350];
	v13 =	vmul.f32 $1.442695020e+00, v13;
	(erf) = vpow2.f32 v15;
	v14 =	vadd.f32 v37, v14  }
0x1c0: {  	v15 =	vld [tilespmem:s3+$0xC360];
	v38 =	vpop (erf)  }
0x1c1: {  	v19 =	vld [tilespmem:s3+$0xC370];
	v12 =	vmul.f32 $1.442695020e+00, v12;
	(erf) = vpow2.f32 v13;
	v13 =	vadd.f32 v38, v14  }
0x1c2: {  	v39 =	vld [tilespmem:s3+$0xC400];
	v14 =	vmul.f32 $1.442695020e+00, v17;
	v40 =	vpop (erf)  }
0x1c3: {  	(erf) = vpow2.f32 v12;
	v9 =	vmul.f32 $1.442695020e+00, v9;
	v12 =	vld [tilespmem:s3+$0xC410];
	v13 =	vadd.f32 v40, v13  }
0x1c4: {  	v41 =	vld [tilespmem:s3+$0xC420];
	(erf) = vpow2.f32 v14;
	v14 =	vmul.f32 $1.442695020e+00, v18;
	v42 =	vpop (erf)  }
0x1c5: {  	(erf) = vpow2.f32 v9;
	v9 =	vmul.f32 $1.442695020e+00, v15;
	v15 =	vld [tilespmem:s3+$0xC430];
	v13 =	vadd.f32 v42, v13  }
0x1c6: {  	v43 =	vld [tilespmem:s3+$0xC440];
	(erf) = vpow2.f32 v14;
	v14 =	vmul.f32 $1.442695020e+00, v19;
	v44 =	vpop (erf)  }
0x1c7: {  	v45 =	vld [tilespmem:s3+$0xC450];
	(erf) = vpow2.f32 v9;
	v9 =	vmul.f32 $1.442695020e+00, v39;
	v13 =	vadd.f32 v44, v13  }
0x1c8: {  	(erf) = vpow2.f32 v14;
	v12 =	vmul.f32 $1.442695020e+00, v12;
	v14 =	vld [tilespmem:s3+$0xC460];
	v46 =	vpop (erf)  }
0x1c9: {  	v47 =	vld [tilespmem:s3+$0xC470];
	(erf) = vpow2.f32 v9;
	v9 =	vmul.f32 $1.442695020e+00, v41;
	v13 =	vadd.f32 v46, v13  }
0x1ca: {  	(erf) = vpow2.f32 v12;
	v12 =	vmul.f32 $1.442695020e+00, v15;
	v15 =	vld [tilespmem:s24+$0xC380];
	v48 =	vpop (erf)  }
0x1cb: {  	(erf) = vpow2.f32 v9;
	v9 =	vmul.f32 $1.442695020e+00, v43;
	v13 =	vadd.f32 v48, v13  }
0x1cc: {  	v49 =	vpop (erf);
	(erf) = vpow2.f32 v12;
	v12 =	vmul.f32 $1.442695020e+00, v45  }
0x1cd: {  	v51 =	vpop (erf);
	(erf) = vpow2.f32 v9;
	v9 =	vmul.f32 $1.442695020e+00, v14;
	v13 =	vadd.f32 v49, v13  }
0x1ce: {  	v14 =	vpop (erf);
	(erf) = vpow2.f32 v12;
	v12 =	vmul.f32 $1.442695020e+00, v47  }
0x1cf: {  	v50 =	vld [tilespmem:s24+$0xC390];
	v53 =	vpop (erf);
	(erf) = vpow2.f32 v9;
	v9 =	vmul.f32 $1.442695020e+00, v15;
	v13 =	vadd.f32 v51, v13  }
0x1d0: {  	v15 =	vpop (erf);
	(erf) = vpow2.f32 v12;
	v12 =	vld [tilespmem:s24+$0xC3B0]  }
0x1d1: {  	v52 =	vld [tilespmem:s24+$0xC3A0];
	v13 =	vadd.f32 v14, v13  }
0x1d2: {  	v54 =	vpop (erf);
	(erf) = vpow2.f32 v9  }
0x1d3: {  	v9 =	vpop (erf);
	v13 =	vadd.f32 v53, v13  }
0x1d4: {  	v16 =	vmul.f32 $1.442695020e+00, v50;
	v14 =	vld [tilespmem:s24+$0xC3C0];
	v20 =	vpop (erf)  }
0x1d5: {  	v55 =	vpop (erf);
	v12 =	vmul.f32 $1.442695020e+00, v12;
	v13 =	vadd.f32 v15, v13  }
0x1d6: {  	v56 =	vld [tilespmem:s24+$0xC3D0];
	v17 =	vmul.f32 $1.442695020e+00, v52;
	(erf) = vpow2.f32 v16;
	v21 =	vpop (erf)  }
0x1d7: {  	v15 =	vld [tilespmem:s24+$0xC3E0];
	v57 =	vpop (erf);
	v13 =	vadd.f32 v54, v13  }
0x1d8: {  	(erf) = vpow2.f32 v17;
	v22 =	vpop (erf)  }
0x1d9: {  	v14 =	vmul.f32 $1.442695020e+00, v14;
	(erf) = vpow2.f32 v12;
	v12 =	vpop (erf)  }
0x1da: {  	v23 =	vpop (erf)  }
0x1db: {  	v58 =	vld [tilespmem:s24+$0xC3F0];
	(erf) = vpow2.f32 v14;
	v14 =	vmul.f32 $1.442695020e+00, v56;
	v9 =	vadd.f32 v9, v13;
	v13 =	vpop (erf)  }
0x1dc: {  	v11 =	vadd.f32 v13, v11;
	v13 =	vmul.f32 $1.442695020e+00, v15  }
0x1dd: {  	(erf) = vpow2.f32 v14  }
0x1de: {  	(erf) = vpow2.f32 v13;
	v13 =	vld [tilespmem:s24+$0xC480]  }
0x1df: {  	v9 =	vadd.f32 v20, v9;
	v14 =	vpop (erf)  }
0x1e0: {  	v59 =	vld [tilespmem:s24+$0xC490];
	v11 =	vadd.f32 v14, v11;
	v14 =	vmul.f32 $1.442695020e+00, v58  }
0x1e1: {  	v9 =	vadd.f32 v55, v9;
	v15 =	vpop (erf)  }
0x1e2: {  	v11 =	vadd.f32 v15, v11;
	(erf) = vpow2.f32 v14;
	v14 =	vld [tilespmem:s24+$0xC4A0]  }
0x1e3: {  	v60 =	vld [tilespmem:s24+$0xC4B0];
	v9 =	vadd.f32 v21, v9;
	v15 =	vpop (erf);
	v13 =	vmul.f32 $1.442695020e+00, v13  }
0x1e4: {  	v11 =	vadd.f32 v15, v11  }
0x1e5: {  	v16 =	vmul.f32 $1.442695020e+00, v59;
	v9 =	vadd.f32 v57, v9;
	v61 =	vpop (erf);
	(erf) = vpow2.f32 v13  }
0x1e6: {  	v15 =	vld [tilespmem:s24+$0xC4C0];
	v11 =	vadd.f32 v61, v11  }
0x1e7: {  	v9 =	vadd.f32 v22, v9;
	v63 =	vpop (erf);
	v13 =	vmul.f32 $1.442695020e+00, v14;
	(erf) = vpow2.f32 v16  }
0x1e8: {  	v62 =	vld [tilespmem:s24+$0xC4D0];
	v14 =	vmul.f32 $1.442695020e+00, v60;
	v11 =	vadd.f32 v63, v11  }
0x1e9: {  	v9 =	vadd.f32 v12, v9;
	v12 =	vpop (erf);
	(erf) = vpow2.f32 v13  }
0x1ea: {  	v13 =	vadd.f32 v12, v11;
	v12 =	vld [tilespmem:s24+$0xC4E0]  }
0x1eb: {  	v15 =	vmul.f32 $1.442695020e+00, v15;
	(erf) = vpow2.f32 v14  }
0x1ec: {  	v9 =	vadd.f32 v23, v9;
	v11 =	vld [tilespmem:s24+$0xC4F0];
	v14 =	vpop (erf)  }
0x1ed: {  	s3 =	simm.s32 $0x1000;
	s24 =	simm.s32 $0x200;
	(erf) = vpow2.f32 v15;
	v14 =	vadd.f32 v14, v13;
	v13 =	vmul.f32 $1.442695020e+00, v62  }
.LBB2_9:
0x1ee: {  	p1 =	sne.s32 s3, $0x1F800;
	v15 =	vld [tilespmem:s24+$0xC380];
	v16 =	vpop (erf)  }
0x1ef: {  	v14 =	vadd.f32 v16, v14;
	v12 =	vmul.f32 $1.442695020e+00, v12;
	(erf) = vpow2.f32 v13  }
0x1f0: {  	v13 =	vld [tilespmem:s24+$0xC390];
	v16 =	vpop (erf)  }
0x1f1: {  	v14 =	vadd.f32 v16, v14;
	v11 =	vmul.f32 $1.442695020e+00, v11;
	(erf) = vpow2.f32 v12  }
0x1f2: {  	v12 =	vld [tilespmem:s24+$0xC3A0];
	v16 =	vpop (erf)  }
0x1f3: {  	v15 =	vmul.f32 $1.442695020e+00, v15;
	v14 =	vadd.f32 v16, v14;
	(erf) = vpow2.f32 v11  }
0x1f4: {  	v11 =	vld [tilespmem:s24+$0xC3B0];
	v16 =	vpop (erf)  }
0x1f5: {  	v13 =	vmul.f32 $1.442695020e+00, v13;
	(erf) = vpow2.f32 v15;
	v14 =	vadd.f32 v16, v14  }
0x1f6: {  	v15 =	vld [tilespmem:s24+$0xC3C0];
	v16 =	vpop (erf)  }
0x1f7: {  	v12 =	vmul.f32 $1.442695020e+00, v12;
	(erf) = vpow2.f32 v13;
	v13 =	vadd.f32 v16, v14  }
0x1f8: {  	v14 =	vld [tilespmem:s24+$0xC3D0];
	v16 =	vpop (erf)  }
0x1f9: {  	v11 =	vmul.f32 $1.442695020e+00, v11;
	(erf) = vpow2.f32 v12;
	v12 =	vadd.f32 v16, v13  }
0x1fa: {  	v13 =	vld [tilespmem:s24+$0xC3E0];
	v16 =	vpop (erf)  }
0x1fb: {  	v15 =	vmul.f32 $1.442695020e+00, v15;
	(erf) = vpow2.f32 v11;
	v11 =	vadd.f32 v16, v12  }
0x1fc: {  	v12 =	vld [tilespmem:s24+$0xC3F0];
	v16 =	vpop (erf)  }
0x1fd: {  	v14 =	vmul.f32 $1.442695020e+00, v14;
	(erf) = vpow2.f32 v15;
	v11 =	vadd.f32 v16, v11  }
0x1fe: {  	v15 =	vld [tilespmem:s24+$0xC480];
	v16 =	vpop (erf)  }
0x1ff: {  	v11 =	vadd.f32 v16, v11;
	v13 =	vmul.f32 $1.442695020e+00, v13;
	(erf) = vpow2.f32 v14  }
0x200: {  	v14 =	vld [tilespmem:s24+$0xC490];
	v16 =	vpop (erf)  }
0x201: {  	v11 =	vadd.f32 v16, v11;
	v12 =	vmul.f32 $1.442695020e+00, v12;
	(erf) = vpow2.f32 v13  }
0x202: {  	v13 =	vld [tilespmem:s24+$0xC4A0];
	v16 =	vpop (erf)  }
0x203: {  	v11 =	vadd.f32 v16, v11;
	v15 =	vmul.f32 $1.442695020e+00, v15;
	(erf) = vpow2.f32 v12  }
0x204: {  	v12 =	vld [tilespmem:s24+$0xC4B0];
	v16 =	vpop (erf)  }
0x205: {  	v11 =	vadd.f32 v16, v11;
	v17 =	vmul.f32 $1.442695020e+00, v14;
	(erf) = vpow2.f32 v15  }
0x206: {  	v15 =	vld [tilespmem:s24+$0xC4C0];
	v16 =	vpop (erf)  }
0x207: {  	v11 =	vadd.f32 v16, v11;
	v18 =	vmul.f32 $1.442695020e+00, v13;
	(erf) = vpow2.f32 v17  }
0x208: {  	v16 =	vld [tilespmem:s24+$0xC4D0];
	v14 =	vpop (erf)  }
.Ltmp5:
0x209: {  	v11 =	vadd.f32 v14, v11;
	v17 =	vmul.f32 $1.442695020e+00, v12;
	(erf) = vpow2.f32 v18;
	(pc) =	sbr.rel @p1 .LBB2_9-.Ltmp5, $4  }
0x20a: {  	v12 =	vld [tilespmem:s24+$0xC4E0];
	v13 =	vpop (erf)  }
0x20b: {  	v13 =	vadd.f32 v13, v11;
	v15 =	vmul.f32 $1.442695020e+00, v15;
	(erf) = vpow2.f32 v17  }
0x20c: {  	v11 =	vld [tilespmem:s24+$0xC4F0];
	v14 =	vpop (erf)  }
0x20d: {  	s24 =	sshra.s32 s3, $0x2;
	s3 =	sadd.s32 $0x800, s3;
	v14 =	vadd.f32 v14, v13;
	v13 =	vmul.f32 $1.442695020e+00, v16;
	(erf) = vpow2.f32 v15  }
0x20e: {  	v15 =	vld [tilespmem:s24+$0xC380];
	v16 =	vpop (erf)  }
0x20f: {  	v14 =	vadd.f32 v16, v14;
	v12 =	vmul.f32 $1.442695020e+00, v12;
	(erf) = vpow2.f32 v13  }
0x210: {  	v23 =	vld [tilespmem:s24+$0xC390];
	v24 =	vpop (erf)  }
0x211: {  	v14 =	vadd.f32 v24, v14;
	v11 =	vmul.f32 $1.442695020e+00, v11;
	(erf) = vpow2.f32 v12  }
0x212: {  	v25 =	vld [tilespmem:s24+$0xC3A0];
	v26 =	vpop (erf)  }
0x213: {  	v15 =	vmul.f32 $1.442695020e+00, v15;
	v14 =	vadd.f32 v26, v14;
	(erf) = vpow2.f32 v11  }
0x214: {  	v11 =	vld [tilespmem:s24+$0xC3B0];
	v27 =	vpop (erf)  }
0x215: {  	v13 =	vmul.f32 $1.442695020e+00, v23;
	(erf) = vpow2.f32 v15;
	v14 =	vadd.f32 v27, v14  }
0x216: {  	v28 =	vld [tilespmem:s24+$0xC3C0];
	v29 =	vpop (erf)  }
0x217: {  	v12 =	vmul.f32 $1.442695020e+00, v25;
	(erf) = vpow2.f32 v13;
	v30 =	vadd.f32 v29, v14  }
0x218: {  	v31 =	vld [tilespmem:s24+$0xC3D0];
	v32 =	vpop (erf)  }
0x219: {  	v11 =	vmul.f32 $1.442695020e+00, v11;
	(erf) = vpow2.f32 v12;
	v33 =	vadd.f32 v32, v30  }
0x21a: {  	v34 =	vld [tilespmem:s24+$0xC3E0];
	v35 =	vpop (erf)  }
0x21b: {  	v15 =	vmul.f32 $1.442695020e+00, v28;
	(erf) = vpow2.f32 v11;
	v11 =	vadd.f32 v35, v33  }
0x21c: {  	v36 =	vld [tilespmem:s24+$0xC3F0];
	v37 =	vpop (erf)  }
0x21d: {  	v14 =	vmul.f32 $1.442695020e+00, v31;
	(erf) = vpow2.f32 v15;
	v11 =	vadd.f32 v37, v11  }
0x21e: {  	v38 =	vld [tilespmem:s24+$0xC480];
	v39 =	vpop (erf)  }
0x21f: {  	v13 =	vmul.f32 $1.442695020e+00, v34;
	(erf) = vpow2.f32 v14;
	v11 =	vadd.f32 v39, v11  }
0x220: {  	v40 =	vld [tilespmem:s24+$0xC490];
	v41 =	vpop (erf)  }
0x221: {  	v12 =	vmul.f32 $1.442695020e+00, v36;
	(erf) = vpow2.f32 v13;
	v11 =	vadd.f32 v41, v11  }
0x222: {  	v42 =	vld [tilespmem:s24+$0xC4A0];
	v43 =	vpop (erf)  }
0x223: {  	v15 =	vmul.f32 $1.442695020e+00, v38;
	(erf) = vpow2.f32 v12;
	v11 =	vadd.f32 v43, v11  }
0x224: {  	v44 =	vld [tilespmem:s24+$0xC4B0];
	v45 =	vpop (erf)  }
0x225: {  	v14 =	vmul.f32 $1.442695020e+00, v40;
	(erf) = vpow2.f32 v15;
	v11 =	vadd.f32 v45, v11  }
0x226: {  	v46 =	vld [tilespmem:s24+$0xC4C0];
	v47 =	vpop (erf)  }
0x227: {  	v13 =	vmul.f32 $1.442695020e+00, v42;
	(erf) = vpow2.f32 v14;
	v11 =	vadd.f32 v47, v11  }
0x228: {  	v48 =	vld [tilespmem:s24+$0xC4D0];
	v49 =	vpop (erf)  }
0x229: {  	v12 =	vmul.f32 $1.442695020e+00, v44;
	(erf) = vpow2.f32 v13;
	v11 =	vadd.f32 v49, v11  }
0x22a: {  	v50 =	vld [tilespmem:s24+$0xC4E0];
	v51 =	vpop (erf)  }
0x22b: {  	v15 =	vmul.f32 $1.442695020e+00, v46;
	(erf) = vpow2.f32 v12;
	v11 =	vadd.f32 v51, v11  }
0x22c: {  	v52 =	vld [tilespmem:s24+$0xC4F0];
	v53 =	vpop (erf)  }
0x22d: {  	v14 =	vmul.f32 $1.442695020e+00, v48;
	(erf) = vpow2.f32 v15;
	v11 =	vadd.f32 v53, v11  }
0x22e: {  	v54 =	vpop (erf)  }
0x22f: {  	v13 =	vmul.f32 $1.442695020e+00, v50;
	(erf) = vpow2.f32 v14;
	v11 =	vadd.f32 v54, v11  }
0x230: {  	v55 =	vpop (erf)  }
0x231: {  	v12 =	vmul.f32 $1.442695020e+00, v52;
	(erf) = vpow2.f32 v13;
	v11 =	vadd.f32 v55, v11  }
0x232: {  	v56 =	vpop (erf)  }
0x233: {  	(erf) = vpow2.f32 v12;
	v11 =	vadd.f32 v56, v11  }
0x234: {  	v57 =	vpop (erf)  }
0x235: {  	v11 =	vadd.f32 v57, v11  }
0x236: {  	v58 =	vpop (erf)  }
0x237: {  	v11 =	vadd.f32 v58, v11  }
0x238: {  	v59 =	vpop (erf)  }
0x239: {  	v11 =	vadd.f32 v59, v11  }
0x23a: {  	v60 =	vpop (erf)  }
0x23b: {  	v11 =	vadd.f32 v60, v11  }
0x23c: {  	v61 =	vpop (erf)  }
0x23d: {  	v11 =	vadd.f32 v61, v11  }
0x23e: {  	(xrf2) =	vadd.scan.msk.f32 $0xffff, v9  }
0x23f: {  	(xrf2) =	vadd.scan.msk.f32 $0xffff, v11;
	_ =	sdelay $0x5  }
0x240: {  	s0 =	sand.u32 $0xE, s0  }
0x241: {  	s3 =	sadd.s32 $0x2, s0  }
0x242: {  	v62 =	vmov s3  }
0x243: {  	vm3 =	vgt.u32 v62, v0;
	v9, _, _ =	vpop (xrf2);
	v11 =	vmov s0  }
0x244: {  	s1 =	sor.u32 $0x3, s1;
	v9 =	vbroadcast v9, $0xF;
	vm1 =	vlt.u32 v11, v4;
	vm2 =	veq.s32 v11, v0;
	v63, _, _ =	vpop (xrf2)  }
0x245: {  	p1 =	sne.s32 s0, $0xE;
	v11 =	vmov s1;
	vm1 =	vmand vm1, vm3;
	v13 =	vbroadcast v63, $0xF  }
0x246: {  	s0 =	sand.u32 @!p1 $0xF0, s6;
	v8 =	vsel vm2, v9, v8;
	vm2 =	veq.s32 v11, v0;
	v7 =	vsel vm1, v10, v7  }
.Ltmp6:
0x247: {  	[tilespmem:s0+$0x4200] =	vst @!p1 v7;
	v8 =	vsel vm2, v13, v8;
	(pc) =	sbr.rel @p0 .LBB2_12-.Ltmp6, $4  }
0x248: {  	[tilespmem:s0+$0x4100] =	vst @!p1 v8  }
0x249: {  	_ =	swait.ge [sflag:s2], $0x8000  }
0x24a: {  	[sflag:s2] =	ssyncset.done $0x0  }
0x24b: {  	s28 =	smov.u32 s26;
	[sflag:s2] =	ssyncadd.s32 $0xFFFF8000  }
0x24c: {  	s0 =	sshrl.u32 s21, $0x2  }
0x24d: {  	v9 =	vld.msk [tilespmem:s0+$0x180], $0x3;
	_ =	sdelay $0x4  }
0x24e: {  	v10 =	vshll.u32 v9, $0x7  }
0x24f: {  	v9 =	vand.u32 $0x7, v9;
	v10 =	vand.u32 $0xFFFFFC00, v10  }
0x250: {  	v9 =	vor.u32 v9, v10  }
0x251: {  	v9 =	vperm.xlane v9, v1;
	_ =	sdelay $0x1  }
0x252: {  	v9 =	vadd.s32 v3, v9;
	_ =	sdelay $0x3  }
0x253: {  	s6 =	simm.s32 $0xC300  }
0x254: {  	[tilespmem:s6], [sflag:$0x2] =	stream.indirect_vreg.gather [hbm4b:s25+s4], $0x80, v9, vm0, $0xb8;
	[tilespmem:$0x14300] =	vst v63  }
0x255: {  	s21 =	simm.s32 $0xCB00  }
0x256: {  	[tilespmem:s21], [sflag:$0x2] =	stream.indirect_vreg.gather [hbm4b:s7+s4], $0x80, v9, vm0, $0xb8;
	[tilespmem:$0x14300] =	vst v63  }
0x257: {  	s24 =	smov.u32 s25;
	s25 =	simm.s32 $0xD300  }
0x258: {  	[tilespmem:s25], [sflag:$0x2] =	stream.indirect_vreg.gather [hbm4b:s8+s4], $0x80, v9, vm0, $0xb8;
	[tilespmem:$0x14300] =	vst v63  }
0x259: {  	s26 =	simm.s32 $0xDB00  }
0x25a: {  	[tilespmem:s26], [sflag:$0x2] =	stream.indirect_vreg.gather [hbm4b:s9+s4], $0x80, v9, vm0, $0xb8;
	[tilespmem:$0x14300] =	vst v63  }
0x25b: {  	s1 =	simm.s32 $0xE300  }
0x25c: {  	[tilespmem:s1], [sflag:$0x2] =	stream.indirect_vreg.gather [hbm4b:s10+s4], $0x80, v9, vm0, $0xb8;
	[tilespmem:$0x14300] =	vst v63  }
0x25d: {  	s3 =	simm.s32 $0xEB00  }
0x25e: {  	[tilespmem:s3], [sflag:$0x2] =	stream.indirect_vreg.gather [hbm4b:s11+s4], $0x80, v9, vm0, $0xb8;
	[tilespmem:$0x14300] =	vst v63  }
0x25f: {  	s6 =	simm.s32 $0xF300  }
0x260: {  	[tilespmem:s6], [sflag:$0x2] =	stream.indirect_vreg.gather [hbm4b:s12+s4], $0x80, v9, vm0, $0xb8;
	[tilespmem:$0x14300] =	vst v63  }
0x261: {  	s21 =	simm.s32 $0xFB00  }
0x262: {  	[tilespmem:s21], [sflag:$0x2] =	stream.indirect_vreg.gather [hbm4b:s13+s4], $0x80, v9, vm0, $0xb8;
	[tilespmem:$0x14300] =	vst v63  }
0x263: {  	s25 =	simm.s32 $0x10300  }
0x264: {  	[tilespmem:s25], [sflag:$0x2] =	stream.indirect_vreg.gather [hbm4b:s14+s4], $0x80, v9, vm0, $0xb8;
	[tilespmem:$0x14300] =	vst v63  }
0x265: {  	s26 =	simm.s32 $0x10B00  }
0x266: {  	[tilespmem:s26], [sflag:$0x2] =	stream.indirect_vreg.gather [hbm4b:s15+s4], $0x80, v9, vm0, $0xb8;
	[tilespmem:$0x14300] =	vst v63  }
0x267: {  	s1 =	simm.s32 $0x11300  }
0x268: {  	[tilespmem:s1], [sflag:$0x2] =	stream.indirect_vreg.gather [hbm4b:s16+s4], $0x80, v9, vm0, $0xb8;
	[tilespmem:$0x14300] =	vst v63  }
0x269: {  	s3 =	simm.s32 $0x11B00  }
0x26a: {  	[tilespmem:s3], [sflag:$0x2] =	stream.indirect_vreg.gather [hbm4b:s17+s4], $0x80, v9, vm0, $0xb8;
	[tilespmem:$0x14300] =	vst v63  }
0x26b: {  	s6 =	simm.s32 $0x12300  }
0x26c: {  	[tilespmem:s6], [sflag:$0x2] =	stream.indirect_vreg.gather [hbm4b:s18+s4], $0x80, v9, vm0, $0xb8;
	[tilespmem:$0x14300] =	vst v63  }
0x26d: {  	s21 =	simm.s32 $0x12B00  }
0x26e: {  	[tilespmem:s21], [sflag:$0x2] =	stream.indirect_vreg.gather [hbm4b:s19+s4], $0x80, v9, vm0, $0xb8;
	[tilespmem:$0x14300] =	vst v63  }
.Ltmp7:
0x26f: {  	_ = 	snop;
	(pc) =	sbr.rel .LBB2_2-.Ltmp7, $4  }
0x270: {  	s25 =	simm.s32 $0x13300  }
0x271: {  	[tilespmem:s25], [sflag:$0x2] =	stream.indirect_vreg.gather [hbm4b:s20+s4], $0x80, v9, vm0, $0xb8;
	[tilespmem:$0x14300] =	vst v63  }
0x272: {  	s5 =	sadd.s32 $0x1, s5;
	s26 =	simm.s32 $0x13B00  }
0x273: {  	[tilespmem:s26], [sflag:$0x2] =	stream.indirect_vreg.gather [hbm4b:s23+s4], $0x80, v9, vm0, $0xb8;
	[tilespmem:$0x14300] =	vst v63  }
.LBB2_13:
0x274: {  	_ =	sfence.sel $0x180000  }
0x275: {  	[bflag:$0x0] =	sbarrier.arrive $0xFFFF  }
0x276: {  	_ =	strace $0x90000047  }
0x277: {  	s0 =	stileid.u32;
	[bflag:$0x2] =	sbarrier.arrive $0xFFFF  }
0x278: {  	p0 =	sne.s32 s0, $0x0;
	s0 =	rddreg [dreg:$0x6]  }
0x279: {  	s0 =	sadd.s32 @!p0 $0x100000, s0  }
0x27a: {  	[sflag:s0] =	ssyncadd.tile.s32 @!p0 $0x1;
	_ =	shalt  }
.Lfunc_end2:
_tile_overlayer_lowered:
.L_overlay_start_2:
0x27b: {  	(tag) =	ssettag $0x2  }
0x27c: {  	s0 =	rddreg [dreg:$0x0];
	s2 =	stileid.u32  }
0x27d: {  	s1 =	rddreg [dreg:$0x1];
	p0 =	sne.s32 s2, $0x0  }
0x27e: {  	s3 =	rddreg [dreg:$0x2];
	[bflag:$0x3] =	sbarrier.arrive $0xFFFF;
	s2 =	simm.s32 @!p0 $0x1C05  }
0x27f: {  	[timem:s3], [sflag:s2] =	dma.local @!p0 [hbm:s0], s1  }
0x280: {  	s0 =	simm.s32 @!p0 $0x5  }
0x281: {  	_ =	swait.ge @!p0 [sflag:s0], s1  }
0x282: {  	s1 =	ssub.s32 @!p0 $0x0, s1;
	[sflag:s0] =	ssyncset.done @!p0 $0x0  }
0x283: {  	[sflag:s0] =	ssyncadd.s32 @!p0 s1  }
0x284: {  	[bflag:$0x3] =	sbarrier.arrive $0xFFFF  }
0x285: {  	_ =	shalt  }

</sc_bundles>
